<compile_context>
chip_gen: v7x
topology: tpu7x:2x2x1
jax: 0.10.2.dev20260603
libtpu: 0.0.44.dev20260713+nightly
codegen_flags: <defaults>
</compile_context>

<pallas_src>
import functools

import jax
import jax.numpy as jnp
from jax import lax
from jax.experimental import pallas as pl
from jax.experimental.pallas import tpu as pltpu
from jax.experimental.pallas import tpu_sc as plsc

_INFO = plsc.get_sparse_core_info()
_NC = _INFO.num_cores
_NS = _INFO.num_subcores
_NW = _NC * _NS
_IW = 128
_CH = 128
_RPC = _IW // _CH


def _pad_rows(n):
    per_tile = -(-(n + 1) // (_IW * _NS)) * _IW
    return per_tile * _NS, per_tile


def _make_edge_segsum(n, h, nrow):
    npad, rows_per_tile = _pad_rows(n)
    zrep = rows_per_tile // _CH
    mesh = plsc.VectorSubcoreMesh(core_axis_name="c", subcore_axis_name="s")

    @functools.partial(
        pl.kernel,
        mesh=mesh,
        out_type=jax.ShapeDtypeStruct((_NC, npad, h), jnp.float32),
        scratch_types=[
            pltpu.VMEM((nrow, _IW), jnp.int32),
            pltpu.VMEM((_CH,), jnp.int32),
            pltpu.VMEM((_CH,), jnp.int32),
            pltpu.VMEM((_CH, h), jnp.float32),
            pltpu.VMEM((_CH, h), jnp.float32),
            pltpu.SemaphoreType.DMA,
            pltpu.SemaphoreType.DMA,
            pltpu.SemaphoreType.DMA,
            pltpu.SemaphoreType.DMA,
            pltpu.VMEM_SHARED((npad, h), jnp.float32),
        ],
    )
    def seg(x_hbm, src_hbm, dst_hbm, out_hbm, sidx, d0, d1,
            rows0, rows1, sem0, sem1, semd0, semd1, acc):
        c = lax.axis_index("c")
        s = lax.axis_index("s")
        wid = s * _NC + c

        pltpu.sync_copy(src_hbm.at[wid], sidx)

        def _zero(i, carry):
            for l in range(h // 16):
                rows0[i, pl.ds(l * 16, 16)] = jnp.zeros((16,), jnp.float32)
            return carry

        lax.fori_loop(0, _CH, _zero, 0)
        for j in range(zrep):
            pltpu.sync_copy(rows0, acc.at[pl.ds(s * rows_per_tile + j * _CH, _CH)])
        plsc.subcore_barrier()

        def _dstart(t, dbuf, sem):
            r, o = t // _RPC, (t % _RPC) * _CH
            pltpu.async_copy(dst_hbm.at[wid, r, pl.ds(o, _CH)], dbuf, sem)

        def _dwait(t, dbuf, sem):
            r, o = t // _RPC, (t % _RPC) * _CH
            pltpu.make_async_copy(
                dst_hbm.at[wid, r, pl.ds(o, _CH)], dbuf, sem).wait()

        def _gather(t, rbuf, sem):
            r, o = t // _RPC, (t % _RPC) * _CH
            return pltpu.async_copy(
                x_hbm.at[sidx.at[r, pl.ds(o, _CH)]], rbuf, sem)

        def _gwait(t, rbuf, sem):
            r, o = t // _RPC, (t % _RPC) * _CH
            pltpu.make_async_copy(
                x_hbm.at[sidx.at[r, pl.ds(o, _CH)]], rbuf, sem).wait()

        nch = _RPC * nrow
        _dstart(0, d0, semd0)
        _gather(0, rows0, sem0)

        def _pair(i, carry):
            g = 2 * i
            _gather(g + 1, rows1, sem1)
            _dstart(g + 1, d1, semd1)
            _gwait(g, rows0, sem0)
            _dwait(g, d0, semd0)
            pltpu.sync_copy(rows0, acc.at[d0], add=True)

            @pl.when(g + 2 < nch)
            def _():
                _dstart(g + 2, d0, semd0)
                _gather(g + 2, rows0, sem0)

            _gwait(g + 1, rows1, sem1)
            _dwait(g + 1, d1, semd1)
            pltpu.sync_copy(rows1, acc.at[d1], add=True)
            return carry

        lax.fori_loop(0, (_RPC * nrow) // 2, _pair, 0)
        plsc.subcore_barrier()
        pltpu.sync_copy(
            acc.at[pl.ds(s * rows_per_tile, rows_per_tile)],
            out_hbm.at[c, pl.ds(s * rows_per_tile, rows_per_tile)],
        )

    return seg


def _atom_body(x_ref, w_ref, b_ref, o_ref):
    o_ref[...] = jnp.maximum(x_ref[...] @ w_ref[...] + b_ref[...], 0.0)


def _gin_body(x_ref, a0_ref, a1_ref, w_ref, b_ref, o_ref):
    x = x_ref[...]
    t = x + a0_ref[0] + a1_ref[0]
    o_ref[...] = x + jnp.maximum(t @ w_ref[...] + b_ref[...], 0.0)


def _pool_body(x_ref, batch_ref, ng_ref, nb_ref, gw_ref, gb_ref, pw_ref,
               pb_ref, gf_ref, *, nb_graphs):
    x = x_ref[...]
    m = jnp.mean(x, axis=1, keepdims=True)
    v = jnp.mean((x - m) * (x - m), axis=1, keepdims=True)
    xln = (x - m) * lax.rsqrt(v + 1e-5) * ng_ref[...] + nb_ref[...]
    gate = jnp.sum(xln * gw_ref[...], axis=1, keepdims=True) + gb_ref[0, 0]
    xn = jnp.maximum(xln @ pw_ref[...] + pb_ref[...], 0.0)
    onehot = (batch_ref[...] ==
              lax.broadcasted_iota(jnp.int32, (1, nb_graphs), 1))
    oh = onehot.astype(jnp.float32)
    gmax = jnp.max(jnp.where(onehot, gate, -1e30), axis=0, keepdims=True)
    gmax_n = jnp.sum(oh * gmax, axis=1, keepdims=True)
    gexp = jnp.exp(gate - gmax_n)
    gsum = jnp.sum(oh * gexp, axis=0, keepdims=True)
    gsum_n = jnp.sum(oh * gsum, axis=1, keepdims=True)
    att = gexp / (gsum_n + 1e-16)
    gf_ref[...] = lax.dot_general(oh * att, xn, (((0,), (0,)), ((), ())),
                                  preferred_element_type=jnp.float32)


def _tail_body(gf_ref, gx_ref, gw_ref, gb_ref, gg_ref, gbeta_ref, ew_ref,
               eb_ref, h1w_ref, h1b_ref, h2w_ref, h2b_ref, o_ref):
    g = gx_ref[...] @ gw_ref[...] + gb_ref[...]
    m = jnp.mean(g, axis=1, keepdims=True)
    v = jnp.mean((g - m) * (g - m), axis=1, keepdims=True)
    gfeat = jnp.maximum(
        (g - m) * lax.rsqrt(v + 1e-5) * gg_ref[...] + gbeta_ref[...], 0.0)
    gf = gf_ref[...]
    merged = jnp.concatenate([gf, gfeat, gf * gfeat], axis=1)
    emb = merged @ ew_ref[...] + eb_ref[...]
    hid = jnp.maximum(emb @ h1w_ref[...] + h1b_ref[...], 0.0)
    o_ref[...] = jnp.sum(hid * h2w_ref[...], axis=1, keepdims=True) + h2b_ref[0, 0]


def kernel(graph_x, global_x, edge_index, batch, atom_W, atom_b, gin0_W,
           gin0_b, gin1_W, gin1_b, norm_g, norm_b, gate_W, gate_b, pool_W,
           pool_b, glob_W, glob_b, glob_g, glob_beta, emb_W, emb_b, h1_W,
           h1_b, h2_W, h2_b):
    n, ad = graph_x.shape
    h = atom_W.shape[1]
    e = edge_index.shape[1]
    b_graphs, gd = global_x.shape
    nrow = -(-e // (_NW * _IW))
    if (_RPC * nrow) % 2:
        nrow += 1
    npad, _ = _pad_rows(n)

    src_all = edge_index[0].astype(jnp.int32)
    dst_all = edge_index[1].astype(jnp.int32)
    slots = nrow * _IW
    base, rem = divmod(e, _NW)
    src_parts, dst_parts = [], []
    off = 0
    for w in range(_NW):
        cw = base + (1 if w < rem else 0)
        pad = slots - cw
        pr = jnp.arange(pad, dtype=jnp.int32)
        src_parts.append(jnp.concatenate([src_all[off:off + cw], pr % n]))
        dst_parts.append(jnp.concatenate(
            [dst_all[off:off + cw], n + (w * 7 + pr) % (npad - n)]))
        off += cw
    src_r = jnp.stack(src_parts).reshape(_NW, nrow, _IW)
    dst_r = jnp.stack(dst_parts).reshape(_NW, nrow, _IW)
    batch_2d = batch.astype(jnp.int32).reshape(n, 1)

    segsum = _make_edge_segsum(n, h, nrow)

    blk = 1000
    grid = n // blk
    row_spec = pl.BlockSpec((blk, h), lambda i: (i, 0))
    full = lambda shape: pl.BlockSpec(shape, lambda i: tuple(0 for _ in shape))

    atom = pl.pallas_call(
        _atom_body,
        grid=(grid,),
        in_specs=[pl.BlockSpec((blk, ad), lambda i: (i, 0)),
                  full((ad, h)), full((1, h))],
        out_specs=row_spec,
        out_shape=jax.ShapeDtypeStruct((n, h), jnp.float32),
    )

    part0 = pl.BlockSpec((1, blk, h), lambda i: (0, i, 0))
    part1 = pl.BlockSpec((1, blk, h), lambda i: (1, i, 0))
    gin = pl.pallas_call(
        _gin_body,
        grid=(grid,),
        in_specs=[row_spec, part0, part1, full((h, h)), full((1, h))],
        out_specs=row_spec,
        out_shape=jax.ShapeDtypeStruct((n, h), jnp.float32),
    )

    pool = pl.pallas_call(
        functools.partial(_pool_body, nb_graphs=b_graphs),
        in_specs=[pl.BlockSpec((n, h), lambda: (0, 0)),
                  pl.BlockSpec((n, 1), lambda: (0, 0)),
                  pl.BlockSpec((1, h), lambda: (0, 0)),
                  pl.BlockSpec((1, h), lambda: (0, 0)),
                  pl.BlockSpec((1, h), lambda: (0, 0)),
                  pl.BlockSpec((1, 1), lambda: (0, 0)),
                  pl.BlockSpec((h, h), lambda: (0, 0)),
                  pl.BlockSpec((1, h), lambda: (0, 0))],
        out_specs=pl.BlockSpec((b_graphs, h), lambda: (0, 0)),
        out_shape=jax.ShapeDtypeStruct((b_graphs, h), jnp.float32),
    )

    tail = pl.pallas_call(
        _tail_body,
        in_specs=[pl.BlockSpec((b_graphs, h), lambda: (0, 0)),
                  pl.BlockSpec((b_graphs, gd), lambda: (0, 0)),
                  pl.BlockSpec((gd, h), lambda: (0, 0)),
                  pl.BlockSpec((1, h), lambda: (0, 0)),
                  pl.BlockSpec((1, h), lambda: (0, 0)),
                  pl.BlockSpec((1, h), lambda: (0, 0)),
                  pl.BlockSpec((3 * h, 64), lambda: (0, 0)),
                  pl.BlockSpec((1, 64), lambda: (0, 0)),
                  pl.BlockSpec((64, 64), lambda: (0, 0)),
                  pl.BlockSpec((1, 64), lambda: (0, 0)),
                  pl.BlockSpec((1, 64), lambda: (0, 0)),
                  pl.BlockSpec((1, 1), lambda: (0, 0))],
        out_specs=pl.BlockSpec((b_graphs, 1), lambda: (0, 0)),
        out_shape=jax.ShapeDtypeStruct((b_graphs, 1), jnp.float32),
    )

    x0 = atom(graph_x, atom_W, atom_b.reshape(1, h))
    p = segsum(x0, src_r, dst_r)
    x1 = gin(x0, p, p, gin0_W, gin0_b.reshape(1, h))
    p = segsum(x1, src_r, dst_r)
    x2 = gin(x1, p, p, gin1_W, gin1_b.reshape(1, h))
    gf = pool(x2, batch_2d, norm_g.reshape(1, h), norm_b.reshape(1, h),
              gate_W.reshape(1, h), gate_b.reshape(1, 1),
              pool_W, pool_b.reshape(1, h))
    return tail(gf, global_x, glob_W, glob_b.reshape(1, h),
                glob_g.reshape(1, h), glob_beta.reshape(1, h),
                emb_W, emb_b.reshape(1, 64), h1_W, h1_b.reshape(1, 64),
                h2_W.reshape(1, 64), h2_b.reshape(1, 1))

# --- scband reference (transcript-rebuilt; emitter-appended) ---
"""Pipeline reference for scband-smile-gin-84799834292469 (READ-ONLY COPY).

The authoritative reference and input builder live on the scoring server;
editing this copy changes nothing except your own understanding.
"""

import jax, jax.numpy as jnp
import numpy as np

N = 10000
E = 320000
B = 64
AD = 128
GD = 128
H = 128

def _ln(x, g, b):
    m = jnp.mean(x, axis=-1, keepdims=True)
    v = jnp.var(x, axis=-1, keepdims=True)
    return (x - m) / jnp.sqrt(v + 1e-5) * g + b

def setup_inputs(seed: int = 0):
    key = jax.random.key(seed)
    ks = jax.random.split(key, 26)
    def p(i, shape):
        return jax.random.normal(ks[i], shape, dtype=jnp.float32) * 0.05
    return {
        "graph_x": jax.random.normal(ks[0], (N, AD), dtype=jnp.float32),
        "global_x": jax.random.normal(ks[1], (B, GD), dtype=jnp.float32),
        "edge_index": jax.random.randint(ks[2], (2, E), 0, N),
        "batch": jnp.sort(jax.random.randint(ks[3], (N,), 0, B)),
        "atom_W": p(4, (AD, H)), "atom_b": p(5, (H,)),
        "gin0_W": p(6, (H, H)), "gin0_b": p(7, (H,)),
        "gin1_W": p(8, (H, H)), "gin1_b": p(9, (H,)),
        "norm_g": jnp.ones((H,), jnp.float32), "norm_b": jnp.zeros((H,), jnp.float32),
        "gate_W": p(10, (H, 1)), "gate_b": p(11, (1,)),
        "pool_W": p(12, (H, H)), "pool_b": p(13, (H,)),
        "glob_W": p(14, (GD, H)), "glob_b": p(15, (H,)),
        "glob_g": jnp.ones((H,), jnp.float32), "glob_beta": jnp.zeros((H,), jnp.float32),
        "emb_W": p(16, (3 * H, 64)), "emb_b": p(17, (64,)),
        "h1_W": p(18, (64, 64)), "h1_b": p(19, (64,)),
        "h2_W": p(20, (64, 1)), "h2_b": p(21, (1,)),
    }

def reference(graph_x, global_x, edge_index, batch, atom_W, atom_b, gin0_W, gin0_b, gin1_W, gin1_b, norm_g, norm_b, gate_W, gate_b, pool_W, pool_b, glob_W, glob_b, glob_g, glob_beta, emb_W, emb_b, h1_W, h1_b, h2_W, h2_b):
    src, dst = edge_index[0], edge_index[1]
    x = jax.nn.relu(graph_x @ atom_W + atom_b)
    # GIN layer 1 (eps=0): nn((1+eps)*x + sum_{j->i} x_j), residual add
    agg = jax.ops.segment_sum(x[src], dst, num_segments=N)
    h = jax.nn.relu((x + agg) @ gin0_W + gin0_b)
    x = x + h
    # GIN layer 2
    agg = jax.ops.segment_sum(x[src], dst, num_segments=N)
    h = jax.nn.relu((x + agg) @ gin1_W + gin1_b)
    x = x + h
    x = _ln(x, norm_g, norm_b)
    # AttentionalAggregation: gate_nn -> per-graph softmax; nn applied to x
    gate = x @ gate_W + gate_b  # [N,1]
    xn = jax.nn.relu(x @ pool_W + pool_b)
    gmax = jax.ops.segment_max(gate, batch, num_segments=B)
    gexp = jnp.exp(gate - gmax[batch])
    gsum = jax.ops.segment_sum(gexp, batch, num_segments=B)
    att = gexp / (gsum[batch] + 1e-16)
    graph_feat = jax.ops.segment_sum(att * xn, batch, num_segments=B)  # [B,H]
    gfeat = jax.nn.relu(_ln(global_x @ glob_W + glob_b, glob_g, glob_beta))  # [B,H]
    fusion = graph_feat * gfeat
    merged = jnp.concatenate([graph_feat, gfeat, fusion], axis=1)  # [B,3H]
    emb = merged @ emb_W + emb_b
    out = jax.nn.relu(emb @ h1_W + h1_b) @ h2_W + h2_b
    return out

if __name__ == "__main__":
    import jax
    _d = setup_inputs()
    print(jax.jit(kernel)(*tuple(_d.values())))

</pallas_src>

<mosaic_0001>
#map = affine_map<(d0, d1) -> (0, 0)>
#map1 = affine_map<(d0, d1) -> (0, 0, 0)>
module attributes {stable_mosaic.version = 14 : i64} {
  func.func @seg(%arg0: i32, %arg1: i32, %arg2: memref<10000x128xf32, #tpu.memory_space<hbm>>, %arg3: memref<32x80x128xi32, #tpu.memory_space<hbm>>, %arg4: memref<32x80x128xi32, #tpu.memory_space<hbm>>, %arg5: memref<2x10240x128xf32, #tpu.memory_space<hbm>>, %arg6: memref<80x128xi32, #tpu.memory_space<vmem>>, %arg7: memref<128xi32, #tpu.memory_space<vmem>>, %arg8: memref<128xi32, #tpu.memory_space<vmem>>, %arg9: memref<128x128xf32, #tpu.memory_space<vmem>>, %arg10: memref<128x128xf32, #tpu.memory_space<vmem>>, %arg11: memref<!tpu.dma_semaphore, #tpu.memory_space<semaphore_mem>>, %arg12: memref<!tpu.dma_semaphore, #tpu.memory_space<semaphore_mem>>, %arg13: memref<!tpu.dma_semaphore, #tpu.memory_space<semaphore_mem>>, %arg14: memref<!tpu.dma_semaphore, #tpu.memory_space<semaphore_mem>>, %arg15: memref<10240x128xf32, #tpu.memory_space<vmem_shared>>) attributes {dimension_semantics = [#tpu.dimension_semantics<core_parallel>, #tpu.dimension_semantics<subcore_parallel>], iteration_bounds = array<i64: 2, 16>, scalar_prefetch = 0 : i64, scratch_operands = 10 : i64, tpu.core_type = #tpu.core_type<sc_vector_subcore>, window_params = [{transform_indices = #map}, {transform_indices = #map1}, {transform_indices = #map1}, {transform_indices = #map1}]} {
    %mul3A = arith.constant 2 : i32
    %mul3A_0 = arith.muli %arg1, %mul3A : i32
    %add3A = arith.addi %mul3A_0, %arg0 : i32
    "tpu.region"() ({
      %run_scoped3A = tpu.sem_alloc : memref<!tpu.dma_semaphore, #tpu.memory_space<semaphore_mem>>
      %dma_start3A_50 = arith.constant 0 : i32
      %dma_start3A_51 = arith.constant 0 : i32
      %dma_start3A_52 = tpu.memref_slice %arg3[%add3A, %dma_start3A_50, %dma_start3A_51] : memref<32x80x128xi32, #tpu.memory_space<hbm>> -> memref<1x80x128xi32, #tpu.memory_space<hbm>>
      %dma_start3A_53 = tpu.memref_squeeze %dma_start3A_52 : memref<1x80x128xi32, #tpu.memory_space<hbm>> -> memref<80x128xi32, #tpu.memory_space<hbm>>
      %dma_start3A_54 = arith.constant 0 : i32
      %dma_start3A_55 = arith.constant 0 : i32
      %dma_start3A_56 = tpu.memref_slice %arg3[%add3A, %dma_start3A_54, %dma_start3A_55] : memref<32x80x128xi32, #tpu.memory_space<hbm>> -> memref<1x80x128xi32, #tpu.memory_space<hbm>>
      %dma_start3A_57 = tpu.memref_squeeze %dma_start3A_56 : memref<1x80x128xi32, #tpu.memory_space<hbm>> -> memref<80x128xi32, #tpu.memory_space<hbm>>
      tpu.enqueue_dma source(%dma_start3A_57 : memref<80x128xi32, #tpu.memory_space<hbm>>) target(%arg6 : memref<80x128xi32, #tpu.memory_space<vmem>>) target_semaphore(%run_scoped3A : memref<!tpu.dma_semaphore, #tpu.memory_space<semaphore_mem>>)
      %dma_wait3A = arith.constant 0 : i32
      %dma_wait3A_58 = arith.constant 0 : i32
      %dma_wait3A_59 = tpu.memref_slice %arg3[%add3A, %dma_wait3A, %dma_wait3A_58] : memref<32x80x128xi32, #tpu.memory_space<hbm>> -> memref<1x80x128xi32, #tpu.memory_space<hbm>>
      %dma_wait3A_60 = tpu.memref_squeeze %dma_wait3A_59 : memref<1x80x128xi32, #tpu.memory_space<hbm>> -> memref<80x128xi32, #tpu.memory_space<hbm>>
      %dma_wait3A_61 = arith.constant 0 : i32
      %dma_wait3A_62 = arith.constant 0 : i32
      %dma_wait3A_63 = tpu.memref_slice %arg3[%add3A, %dma_wait3A_61, %dma_wait3A_62] : memref<32x80x128xi32, #tpu.memory_space<hbm>> -> memref<1x80x128xi32, #tpu.memory_space<hbm>>
      %dma_wait3A_64 = tpu.memref_squeeze %dma_wait3A_63 : memref<1x80x128xi32, #tpu.memory_space<hbm>> -> memref<80x128xi32, #tpu.memory_space<hbm>>
      tpu.wait_dma2 semaphore(%run_scoped3A : memref<!tpu.dma_semaphore, #tpu.memory_space<semaphore_mem>>) src(%dma_wait3A_64 : memref<80x128xi32, #tpu.memory_space<hbm>>) dst(%arg6 : memref<80x128xi32, #tpu.memory_space<vmem>>)
      tpu.yield
    }) : () -> ()
    %scan3A = arith.constant 0 : i32
    %scan3A_1 = arith.constant 0 : i32
    %scan3A_2 = arith.constant 128 : i32
    %scan3A_3 = arith.addi %scan3A_1, %scan3A_2 : i32
    %scan3A_4 = arith.constant 1 : i32
    scf.for %scan3A_50 = %scan3A_1 to %scan3A_3 step %scan3A_4  : i32 {
      %broadcast_in_dim3A = arith.constant 0.000000e+00 : f32
      %broadcast_in_dim3A_51 = vector.broadcast %broadcast_in_dim3A : f32 to vector<16xf32>
      %swap3A = arith.index_cast %scan3A_50 : i32 to index
      %swap3A_52 = arith.constant 0 : index
      %swap3A_53 = tpu.vector_load %arg9[%swap3A, %swap3A_52] {strides = array<i32>} : memref<128x128xf32, #tpu.memory_space<vmem>>, vector<1x16xf32>,
      %swap3A_54 = vector.shape_cast %swap3A_53 : vector<1x16xf32> to vector<16xf32>
      %swap3A_55 = vector.shape_cast %broadcast_in_dim3A_51 : vector<16xf32> to vector<1x16xf32>
      tpu.vector_store %arg9[%swap3A, %swap3A_52], %swap3A_55 {strides = array<i32>} : memref<128x128xf32, #tpu.memory_space<vmem>>, vector<1x16xf32>,
      %broadcast_in_dim3A_56 = arith.constant 0.000000e+00 : f32
      %broadcast_in_dim3A_57 = vector.broadcast %broadcast_in_dim3A_56 : f32 to vector<16xf32>
      %swap3A_58 = arith.index_cast %scan3A_50 : i32 to index
      %swap3A_59 = arith.constant 16 : index
      %swap3A_60 = tpu.vector_load %arg9[%swap3A_58, %swap3A_59] {strides = array<i32>} : memref<128x128xf32, #tpu.memory_space<vmem>>, vector<1x16xf32>,
      %swap3A_61 = vector.shape_cast %swap3A_60 : vector<1x16xf32> to vector<16xf32>
      %swap3A_62 = vector.shape_cast %broadcast_in_dim3A_57 : vector<16xf32> to vector<1x16xf32>
      tpu.vector_store %arg9[%swap3A_58, %swap3A_59], %swap3A_62 {strides = array<i32>} : memref<128x128xf32, #tpu.memory_space<vmem>>, vector<1x16xf32>,
      %broadcast_in_dim3A_63 = arith.constant 0.000000e+00 : f32
      %broadcast_in_dim3A_64 = vector.broadcast %broadcast_in_dim3A_63 : f32 to vector<16xf32>
      %swap3A_65 = arith.index_cast %scan3A_50 : i32 to index
      %swap3A_66 = arith.constant 32 : index
      %swap3A_67 = tpu.vector_load %arg9[%swap3A_65, %swap3A_66] {strides = array<i32>} : memref<128x128xf32, #tpu.memory_space<vmem>>, vector<1x16xf32>,
      %swap3A_68 = vector.shape_cast %swap3A_67 : vector<1x16xf32> to vector<16xf32>
      %swap3A_69 = vector.shape_cast %broadcast_in_dim3A_64 : vector<16xf32> to vector<1x16xf32>
      tpu.vector_store %arg9[%swap3A_65, %swap3A_66], %swap3A_69 {strides = array<i32>} : memref<128x128xf32, #tpu.memory_space<vmem>>, vector<1x16xf32>,
      %broadcast_in_dim3A_70 = arith.constant 0.000000e+00 : f32
      %broadcast_in_dim3A_71 = vector.broadcast %broadcast_in_dim3A_70 : f32 to vector<16xf32>
      %swap3A_72 = arith.index_cast %scan3A_50 : i32 to index
      %swap3A_73 = arith.constant 48 : index
      %swap3A_74 = tpu.vector_load %arg9[%swap3A_72, %swap3A_73] {strides = array<i32>} : memref<128x128xf32, #tpu.memory_space<vmem>>, vector<1x16xf32>,
      %swap3A_75 = vector.shape_cast %swap3A_74 : vector<1x16xf32> to vector<16xf32>
      %swap3A_76 = vector.shape_cast %broadcast_in_dim3A_71 : vector<16xf32> to vector<1x16xf32>
      tpu.vector_store %arg9[%swap3A_72, %swap3A_73], %swap3A_76 {strides = array<i32>} : memref<128x128xf32, #tpu.memory_space<vmem>>, vector<1x16xf32>,
      %broadcast_in_dim3A_77 = arith.constant 0.000000e+00 : f32
      %broadcast_in_dim3A_78 = vector.broadcast %broadcast_in_dim3A_77 : f32 to vector<16xf32>
      %swap3A_79 = arith.index_cast %scan3A_50 : i32 to index
      %swap3A_80 = arith.constant 64 : index
      %swap3A_81 = tpu.vector_load %arg9[%swap3A_79, %swap3A_80] {strides = array<i32>} : memref<128x128xf32, #tpu.memory_space<vmem>>, vector<1x16xf32>,
      %swap3A_82 = vector.shape_cast %swap3A_81 : vector<1x16xf32> to vector<16xf32>
      %swap3A_83 = vector.shape_cast %broadcast_in_dim3A_78 : vector<16xf32> to vector<1x16xf32>
      tpu.vector_store %arg9[%swap3A_79, %swap3A_80], %swap3A_83 {strides = array<i32>} : memref<128x128xf32, #tpu.memory_space<vmem>>, vector<1x16xf32>,
      %broadcast_in_dim3A_84 = arith.constant 0.000000e+00 : f32
      %broadcast_in_dim3A_85 = vector.broadcast %broadcast_in_dim3A_84 : f32 to vector<16xf32>
      %swap3A_86 = arith.index_cast %scan3A_50 : i32 to index
      %swap3A_87 = arith.constant 80 : index
      %swap3A_88 = tpu.vector_load %arg9[%swap3A_86, %swap3A_87] {strides = array<i32>} : memref<128x128xf32, #tpu.memory_space<vmem>>, vector<1x16xf32>,
      %swap3A_89 = vector.shape_cast %swap3A_88 : vector<1x16xf32> to vector<16xf32>
      %swap3A_90 = vector.shape_cast %broadcast_in_dim3A_85 : vector<16xf32> to vector<1x16xf32>
      tpu.vector_store %arg9[%swap3A_86, %swap3A_87], %swap3A_90 {strides = array<i32>} : memref<128x128xf32, #tpu.memory_space<vmem>>, vector<1x16xf32>,
      %broadcast_in_dim3A_91 = arith.constant 0.000000e+00 : f32
      %broadcast_in_dim3A_92 = vector.broadcast %broadcast_in_dim3A_91 : f32 to vector<16xf32>
      %swap3A_93 = arith.index_cast %scan3A_50 : i32 to index
      %swap3A_94 = arith.constant 96 : index
      %swap3A_95 = tpu.vector_load %arg9[%swap3A_93, %swap3A_94] {strides = array<i32>} : memref<128x128xf32, #tpu.memory_space<vmem>>, vector<1x16xf32>,
      %swap3A_96 = vector.shape_cast %swap3A_95 : vector<1x16xf32> to vector<16xf32>
      %swap3A_97 = vector.shape_cast %broadcast_in_dim3A_92 : vector<16xf32> to vector<1x16xf32>
      tpu.vector_store %arg9[%swap3A_93, %swap3A_94], %swap3A_97 {strides = array<i32>} : memref<128x128xf32, #tpu.memory_space<vmem>>, vector<1x16xf32>,
      %broadcast_in_dim3A_98 = arith.constant 0.000000e+00 : f32
      %broadcast_in_dim3A_99 = vector.broadcast %broadcast_in_dim3A_98 : f32 to vector<16xf32>
      %swap3A_100 = arith.index_cast %scan3A_50 : i32 to index
      %swap3A_101 = arith.constant 112 : index
      %swap3A_102 = tpu.vector_load %arg9[%swap3A_100, %swap3A_101] {strides = array<i32>} : memref<128x128xf32, #tpu.memory_space<vmem>>, vector<1x16xf32>,
      %swap3A_103 = vector.shape_cast %swap3A_102 : vector<1x16xf32> to vector<16xf32>
      %swap3A_104 = vector.shape_cast %broadcast_in_dim3A_99 : vector<16xf32> to vector<1x16xf32>
      tpu.vector_store %arg9[%swap3A_100, %swap3A_101], %swap3A_104 {strides = array<i32>} : memref<128x128xf32, #tpu.memory_space<vmem>>, vector<1x16xf32>,
    }
    %scan3A_5 = arith.constant 128 : i32
    %mul3A_6 = arith.constant 640 : i32
    %mul3A_7 = arith.muli %arg1, %mul3A_6 : i32
    %add3A_8 = arith.constant 0 : i32
    %add3A_9 = arith.addi %mul3A_7, %add3A_8 : i32
    "tpu.region"() ({
      %run_scoped3A = tpu.sem_alloc : memref<!tpu.dma_semaphore, #tpu.memory_space<semaphore_mem>>
      %dma_start3A_50 = arith.constant 0 : i32
      %dma_start3A_51 = tpu.memref_slice %arg15[%add3A_9, %dma_start3A_50] : memref<10240x128xf32, #tpu.memory_space<vmem_shared>> -> memref<128x128xf32, #tpu.memory_space<vmem_shared>>
      %dma_start3A_52 = arith.constant 0 : i32
      %dma_start3A_53 = tpu.memref_slice %arg15[%add3A_9, %dma_start3A_52] : memref<10240x128xf32, #tpu.memory_space<vmem_shared>> -> memref<128x128xf32, #tpu.memory_space<vmem_shared>>
      tpu.enqueue_dma source(%arg9 : memref<128x128xf32, #tpu.memory_space<vmem>>) target(%dma_start3A_53 : memref<128x128xf32, #tpu.memory_space<vmem_shared>>) target_semaphore(%run_scoped3A : memref<!tpu.dma_semaphore, #tpu.memory_space<semaphore_mem>>)
      %dma_wait3A = arith.constant 0 : i32
      %dma_wait3A_54 = tpu.memref_slice %arg15[%add3A_9, %dma_wait3A] : memref<10240x128xf32, #tpu.memory_space<vmem_shared>> -> memref<128x128xf32, #tpu.memory_space<vmem_shared>>
      %dma_wait3A_55 = arith.constant 0 : i32
      %dma_wait3A_56 = tpu.memref_slice %arg15[%add3A_9, %dma_wait3A_55] : memref<10240x128xf32, #tpu.memory_space<vmem_shared>> -> memref<128x128xf32, #tpu.memory_space<vmem_shared>>
      tpu.wait_dma2 semaphore(%run_scoped3A : memref<!tpu.dma_semaphore, #tpu.memory_space<semaphore_mem>>) src(%arg9 : memref<128x128xf32, #tpu.memory_space<vmem>>) dst(%dma_wait3A_56 : memref<128x128xf32, #tpu.memory_space<vmem_shared>>)
      tpu.yield
    }) : () -> ()
    %mul3A_10 = arith.constant 640 : i32
    %mul3A_11 = arith.muli %arg1, %mul3A_10 : i32
    %add3A_12 = arith.constant 128 : i32
    %add3A_13 = arith.addi %mul3A_11, %add3A_12 : i32
    "tpu.region"() ({
      %run_scoped3A = tpu.sem_alloc : memref<!tpu.dma_semaphore, #tpu.memory_space<semaphore_mem>>
      %dma_start3A_50 = arith.constant 0 : i32
      %dma_start3A_51 = tpu.memref_slice %arg15[%add3A_13, %dma_start3A_50] : memref<10240x128xf32, #tpu.memory_space<vmem_shared>> -> memref<128x128xf32, #tpu.memory_space<vmem_shared>>
      %dma_start3A_52 = arith.constant 0 : i32
      %dma_start3A_53 = tpu.memref_slice %arg15[%add3A_13, %dma_start3A_52] : memref<10240x128xf32, #tpu.memory_space<vmem_shared>> -> memref<128x128xf32, #tpu.memory_space<vmem_shared>>
      tpu.enqueue_dma source(%arg9 : memref<128x128xf32, #tpu.memory_space<vmem>>) target(%dma_start3A_53 : memref<128x128xf32, #tpu.memory_space<vmem_shared>>) target_semaphore(%run_scoped3A : memref<!tpu.dma_semaphore, #tpu.memory_space<semaphore_mem>>)
      %dma_wait3A = arith.constant 0 : i32
      %dma_wait3A_54 = tpu.memref_slice %arg15[%add3A_13, %dma_wait3A] : memref<10240x128xf32, #tpu.memory_space<vmem_shared>> -> memref<128x128xf32, #tpu.memory_space<vmem_shared>>
      %dma_wait3A_55 = arith.constant 0 : i32
      %dma_wait3A_56 = tpu.memref_slice %arg15[%add3A_13, %dma_wait3A_55] : memref<10240x128xf32, #tpu.memory_space<vmem_shared>> -> memref<128x128xf32, #tpu.memory_space<vmem_shared>>
      tpu.wait_dma2 semaphore(%run_scoped3A : memref<!tpu.dma_semaphore, #tpu.memory_space<semaphore_mem>>) src(%arg9 : memref<128x128xf32, #tpu.memory_space<vmem>>) dst(%dma_wait3A_56 : memref<128x128xf32, #tpu.memory_space<vmem_shared>>)
      tpu.yield
    }) : () -> ()
    %mul3A_14 = arith.constant 640 : i32
    %mul3A_15 = arith.muli %arg1, %mul3A_14 : i32
    %add3A_16 = arith.constant 256 : i32
    %add3A_17 = arith.addi %mul3A_15, %add3A_16 : i32
    "tpu.region"() ({
      %run_scoped3A = tpu.sem_alloc : memref<!tpu.dma_semaphore, #tpu.memory_space<semaphore_mem>>
      %dma_start3A_50 = arith.constant 0 : i32
      %dma_start3A_51 = tpu.memref_slice %arg15[%add3A_17, %dma_start3A_50] : memref<10240x128xf32, #tpu.memory_space<vmem_shared>> -> memref<128x128xf32, #tpu.memory_space<vmem_shared>>
      %dma_start3A_52 = arith.constant 0 : i32
      %dma_start3A_53 = tpu.memref_slice %arg15[%add3A_17, %dma_start3A_52] : memref<10240x128xf32, #tpu.memory_space<vmem_shared>> -> memref<128x128xf32, #tpu.memory_space<vmem_shared>>
      tpu.enqueue_dma source(%arg9 : memref<128x128xf32, #tpu.memory_space<vmem>>) target(%dma_start3A_53 : memref<128x128xf32, #tpu.memory_space<vmem_shared>>) target_semaphore(%run_scoped3A : memref<!tpu.dma_semaphore, #tpu.memory_space<semaphore_mem>>)
      %dma_wait3A = arith.constant 0 : i32
      %dma_wait3A_54 = tpu.memref_slice %arg15[%add3A_17, %dma_wait3A] : memref<10240x128xf32, #tpu.memory_space<vmem_shared>> -> memref<128x128xf32, #tpu.memory_space<vmem_shared>>
      %dma_wait3A_55 = arith.constant 0 : i32
      %dma_wait3A_56 = tpu.memref_slice %arg15[%add3A_17, %dma_wait3A_55] : memref<10240x128xf32, #tpu.memory_space<vmem_shared>> -> memref<128x128xf32, #tpu.memory_space<vmem_shared>>
      tpu.wait_dma2 semaphore(%run_scoped3A : memref<!tpu.dma_semaphore, #tpu.memory_space<semaphore_mem>>) src(%arg9 : memref<128x128xf32, #tpu.memory_space<vmem>>) dst(%dma_wait3A_56 : memref<128x128xf32, #tpu.memory_space<vmem_shared>>)
      tpu.yield
    }) : () -> ()
    %mul3A_18 = arith.constant 640 : i32
    %mul3A_19 = arith.muli %arg1, %mul3A_18 : i32
    %add3A_20 = arith.constant 384 : i32
    %add3A_21 = arith.addi %mul3A_19, %add3A_20 : i32
    "tpu.region"() ({
      %run_scoped3A = tpu.sem_alloc : memref<!tpu.dma_semaphore, #tpu.memory_space<semaphore_mem>>
      %dma_start3A_50 = arith.constant 0 : i32
      %dma_start3A_51 = tpu.memref_slice %arg15[%add3A_21, %dma_start3A_50] : memref<10240x128xf32, #tpu.memory_space<vmem_shared>> -> memref<128x128xf32, #tpu.memory_space<vmem_shared>>
      %dma_start3A_52 = arith.constant 0 : i32
      %dma_start3A_53 = tpu.memref_slice %arg15[%add3A_21, %dma_start3A_52] : memref<10240x128xf32, #tpu.memory_space<vmem_shared>> -> memref<128x128xf32, #tpu.memory_space<vmem_shared>>
      tpu.enqueue_dma source(%arg9 : memref<128x128xf32, #tpu.memory_space<vmem>>) target(%dma_start3A_53 : memref<128x128xf32, #tpu.memory_space<vmem_shared>>) target_semaphore(%run_scoped3A : memref<!tpu.dma_semaphore, #tpu.memory_space<semaphore_mem>>)
      %dma_wait3A = arith.constant 0 : i32
      %dma_wait3A_54 = tpu.memref_slice %arg15[%add3A_21, %dma_wait3A] : memref<10240x128xf32, #tpu.memory_space<vmem_shared>> -> memref<128x128xf32, #tpu.memory_space<vmem_shared>>
      %dma_wait3A_55 = arith.constant 0 : i32
      %dma_wait3A_56 = tpu.memref_slice %arg15[%add3A_21, %dma_wait3A_55] : memref<10240x128xf32, #tpu.memory_space<vmem_shared>> -> memref<128x128xf32, #tpu.memory_space<vmem_shared>>
      tpu.wait_dma2 semaphore(%run_scoped3A : memref<!tpu.dma_semaphore, #tpu.memory_space<semaphore_mem>>) src(%arg9 : memref<128x128xf32, #tpu.memory_space<vmem>>) dst(%dma_wait3A_56 : memref<128x128xf32, #tpu.memory_space<vmem_shared>>)
      tpu.yield
    }) : () -> ()
    %mul3A_22 = arith.constant 640 : i32
    %mul3A_23 = arith.muli %arg1, %mul3A_22 : i32
    %add3A_24 = arith.constant 512 : i32
    %add3A_25 = arith.addi %mul3A_23, %add3A_24 : i32
    "tpu.region"() ({
      %run_scoped3A = tpu.sem_alloc : memref<!tpu.dma_semaphore, #tpu.memory_space<semaphore_mem>>
      %dma_start3A_50 = arith.constant 0 : i32
      %dma_start3A_51 = tpu.memref_slice %arg15[%add3A_25, %dma_start3A_50] : memref<10240x128xf32, #tpu.memory_space<vmem_shared>> -> memref<128x128xf32, #tpu.memory_space<vmem_shared>>
      %dma_start3A_52 = arith.constant 0 : i32
      %dma_start3A_53 = tpu.memref_slice %arg15[%add3A_25, %dma_start3A_52] : memref<10240x128xf32, #tpu.memory_space<vmem_shared>> -> memref<128x128xf32, #tpu.memory_space<vmem_shared>>
      tpu.enqueue_dma source(%arg9 : memref<128x128xf32, #tpu.memory_space<vmem>>) target(%dma_start3A_53 : memref<128x128xf32, #tpu.memory_space<vmem_shared>>) target_semaphore(%run_scoped3A : memref<!tpu.dma_semaphore, #tpu.memory_space<semaphore_mem>>)
      %dma_wait3A = arith.constant 0 : i32
      %dma_wait3A_54 = tpu.memref_slice %arg15[%add3A_25, %dma_wait3A] : memref<10240x128xf32, #tpu.memory_space<vmem_shared>> -> memref<128x128xf32, #tpu.memory_space<vmem_shared>>
      %dma_wait3A_55 = arith.constant 0 : i32
      %dma_wait3A_56 = tpu.memref_slice %arg15[%add3A_25, %dma_wait3A_55] : memref<10240x128xf32, #tpu.memory_space<vmem_shared>> -> memref<128x128xf32, #tpu.memory_space<vmem_shared>>
      tpu.wait_dma2 semaphore(%run_scoped3A : memref<!tpu.dma_semaphore, #tpu.memory_space<semaphore_mem>>) src(%arg9 : memref<128x128xf32, #tpu.memory_space<vmem>>) dst(%dma_wait3A_56 : memref<128x128xf32, #tpu.memory_space<vmem_shared>>)
      tpu.yield
    }) : () -> ()
    %barrier3A = arith.constant 0 : index
    tpu.barrier barrier_id(%barrier3A)
    %dma_start3A = arith.constant 0 : i32
    %dma_start3A_26 = arith.constant 0 : i32
    %dma_start3A_27 = tpu.memref_slice %arg4[%add3A, %dma_start3A, %dma_start3A_26] : memref<32x80x128xi32, #tpu.memory_space<hbm>> -> memref<1x1x128xi32, #tpu.memory_space<hbm>>
    %dma_start3A_28 = tpu.memref_squeeze %dma_start3A_27 : memref<1x1x128xi32, #tpu.memory_space<hbm>> -> memref<128xi32, #tpu.memory_space<hbm>>
    %dma_start3A_29 = arith.constant 0 : i32
    %dma_start3A_30 = tpu.memref_slice %arg4[%add3A, %dma_start3A, %dma_start3A_29] : memref<32x80x128xi32, #tpu.memory_space<hbm>> -> memref<1x1x128xi32, #tpu.memory_space<hbm>>
    %dma_start3A_31 = tpu.memref_squeeze %dma_start3A_30 : memref<1x1x128xi32, #tpu.memory_space<hbm>> -> memref<128xi32, #tpu.memory_space<hbm>>
    tpu.enqueue_dma source(%dma_start3A_31 : memref<128xi32, #tpu.memory_space<hbm>>) target(%arg7 : memref<128xi32, #tpu.memory_space<vmem>>) target_semaphore(%arg13 : memref<!tpu.dma_semaphore, #tpu.memory_space<semaphore_mem>>)
    %dma_start3A_32 = arith.constant 0 : i32
    %dma_start3A_33 = arith.constant 0 : i32
    %dma_start3A_34 = tpu.memref_slice %arg6[%dma_start3A_32, %dma_start3A_33] : memref<80x128xi32, #tpu.memory_space<vmem>> -> memref<1x128xi32, #tpu.memory_space<vmem>>
    %dma_start3A_35 = tpu.memref_squeeze %dma_start3A_34 : memref<1x128xi32, #tpu.memory_space<vmem>> -> memref<128xi32, #tpu.memory_space<vmem>>
    %dma_start3A_36 = arith.constant 0 : i32
    %dma_start3A_37 = arith.constant 0 : i32
    %dma_start3A_38 = tpu.memref_slice %arg2[%dma_start3A_36, %dma_start3A_37] : memref<10000x128xf32, #tpu.memory_space<hbm>> -> memref<10000x128xf32, #tpu.memory_space<hbm>>
    tpu.enqueue_indirect_dma source(%dma_start3A_38 : memref<10000x128xf32, #tpu.memory_space<hbm>>) target(%arg9 : memref<128x128xf32, #tpu.memory_space<vmem>>) offsets(%dma_start3A_35 : memref<128xi32, #tpu.memory_space<vmem>>) semaphore(%arg11 : memref<!tpu.dma_semaphore, #tpu.memory_space<semaphore_mem>>)
    %scan3A_39 = arith.constant 0 : i32
    %scan3A_40 = arith.constant 0 : i32
    %scan3A_41 = arith.constant 40 : i32
    %scan3A_42 = arith.addi %scan3A_40, %scan3A_41 : i32
    %scan3A_43 = arith.constant 1 : i32
    scf.for %scan3A_50 = %scan3A_40 to %scan3A_42 step %scan3A_43  : i32 {
      %mul3A_51 = arith.constant 2 : i32
      %mul3A_52 = arith.muli %mul3A_51, %scan3A_50 : i32
      %add3A_53 = arith.constant 1 : i32
      %add3A_54 = arith.addi %mul3A_52, %add3A_53 : i32
      %jit3A = arith.constant 1 : i32
      %div3A = arith.divsi %add3A_54, %jit3A : i32
      %sign3A = arith.constant 0 : i32
      %sign3A_55 = arith.cmpi sgt, %add3A_54, %sign3A : i32
      %sign3A_56 = arith.extui %sign3A_55 : i1 to i32
      %sign3A_57 = arith.constant 0 : i32
      %sign3A_58 = arith.cmpi slt, %add3A_54, %sign3A_57 : i32
      %sign3A_59 = arith.extui %sign3A_58 : i1 to i32
      %sign3A_60 = arith.subi %sign3A_56, %sign3A_59 : i32
      %sign3A_61 = arith.constant 0 : i32
      %sign3A_62 = arith.cmpi sgt, %jit3A, %sign3A_61 : i32
      %sign3A_63 = arith.extui %sign3A_62 : i1 to i32
      %sign3A_64 = arith.constant 0 : i32
      %sign3A_65 = arith.cmpi slt, %jit3A, %sign3A_64 : i32
      %sign3A_66 = arith.extui %sign3A_65 : i1 to i32
      %sign3A_67 = arith.subi %sign3A_63, %sign3A_66 : i32
      %ne3A = arith.cmpi ne, %sign3A_60, %sign3A_67 : i32
      %rem3A = arith.remsi %add3A_54, %jit3A : i32
      %ne3A_68 = arith.constant 0 : i32
      %ne3A_69 = arith.cmpi ne, %rem3A, %ne3A_68 : i32
      %and3A = arith.andi %ne3A, %ne3A_69 : i1
      %sub3A = arith.constant 1 : i32
      %sub3A_70 = arith.subi %div3A, %sub3A : i32
      %select_n3A = arith.select %and3A, %sub3A_70, %div3A : i32
      %jit3A_71 = arith.constant 1 : i32
      %eq3A = arith.constant 0 : i32
      %eq3A_72 = arith.cmpi eq, %jit3A_71, %eq3A : i32
      %jit3A_73 = arith.constant 1 : i32
      %select_n3A_74 = arith.select %eq3A_72, %jit3A_73, %jit3A_71 : i32
      %rem3A_75 = arith.remsi %add3A_54, %select_n3A_74 : i32
      %ne3A_76 = arith.constant 0 : i32
      %ne3A_77 = arith.cmpi ne, %rem3A_75, %ne3A_76 : i32
      %lt3A = arith.constant 0 : i32
      %lt3A_78 = arith.cmpi slt, %rem3A_75, %lt3A : i32
      %lt3A_79 = arith.constant 0 : i32
      %lt3A_80 = arith.cmpi slt, %select_n3A_74, %lt3A_79 : i32
      %ne3A_81 = arith.xori %lt3A_78, %lt3A_80 : i1
      %and3A_82 = arith.andi %ne3A_81, %ne3A_77 : i1
      %add3A_83 = arith.addi %rem3A_75, %select_n3A_74 : i32
      %select_n3A_84 = arith.select %and3A_82, %add3A_83, %rem3A_75 : i32
      %mul3A_85 = arith.constant 128 : i32
      %mul3A_86 = arith.muli %select_n3A_84, %mul3A_85 : i32
      %dma_start3A_87 = tpu.memref_slice %arg6[%select_n3A, %mul3A_86] : memref<80x128xi32, #tpu.memory_space<vmem>> -> memref<1x128xi32, #tpu.memory_space<vmem>>
      %dma_start3A_88 = tpu.memref_squeeze %dma_start3A_87 : memref<1x128xi32, #tpu.memory_space<vmem>> -> memref<128xi32, #tpu.memory_space<vmem>>
      %dma_start3A_89 = arith.constant 0 : i32
      %dma_start3A_90 = arith.constant 0 : i32
      %dma_start3A_91 = tpu.memref_slice %arg2[%dma_start3A_89, %dma_start3A_90] : memref<10000x128xf32, #tpu.memory_space<hbm>> -> memref<10000x128xf32, #tpu.memory_space<hbm>>
      tpu.enqueue_indirect_dma source(%dma_start3A_91 : memref<10000x128xf32, #tpu.memory_space<hbm>>) target(%arg10 : memref<128x128xf32, #tpu.memory_space<vmem>>) offsets(%dma_start3A_88 : memref<128xi32, #tpu.memory_space<vmem>>) semaphore(%arg12 : memref<!tpu.dma_semaphore, #tpu.memory_space<semaphore_mem>>)
      %add3A_92 = arith.constant 1 : i32
      %add3A_93 = arith.addi %mul3A_52, %add3A_92 : i32
      %jit3A_94 = arith.constant 1 : i32
      %div3A_95 = arith.divsi %add3A_93, %jit3A_94 : i32
      %sign3A_96 = arith.constant 0 : i32
      %sign3A_97 = arith.cmpi sgt, %add3A_93, %sign3A_96 : i32
      %sign3A_98 = arith.extui %sign3A_97 : i1 to i32
      %sign3A_99 = arith.constant 0 : i32
      %sign3A_100 = arith.cmpi slt, %add3A_93, %sign3A_99 : i32
      %sign3A_101 = arith.extui %sign3A_100 : i1 to i32
      %sign3A_102 = arith.subi %sign3A_98, %sign3A_101 : i32
      %sign3A_103 = arith.constant 0 : i32
      %sign3A_104 = arith.cmpi sgt, %jit3A_94, %sign3A_103 : i32
      %sign3A_105 = arith.extui %sign3A_104 : i1 to i32
      %sign3A_106 = arith.constant 0 : i32
      %sign3A_107 = arith.cmpi slt, %jit3A_94, %sign3A_106 : i32
      %sign3A_108 = arith.extui %sign3A_107 : i1 to i32
      %sign3A_109 = arith.subi %sign3A_105, %sign3A_108 : i32
      %ne3A_110 = arith.cmpi ne, %sign3A_102, %sign3A_109 : i32
      %rem3A_111 = arith.remsi %add3A_93, %jit3A_94 : i32
      %ne3A_112 = arith.constant 0 : i32
      %ne3A_113 = arith.cmpi ne, %rem3A_111, %ne3A_112 : i32
      %and3A_114 = arith.andi %ne3A_110, %ne3A_113 : i1
      %sub3A_115 = arith.constant 1 : i32
      %sub3A_116 = arith.subi %div3A_95, %sub3A_115 : i32
      %select_n3A_117 = arith.select %and3A_114, %sub3A_116, %div3A_95 : i32
      %jit3A_118 = arith.constant 1 : i32
      %eq3A_119 = arith.constant 0 : i32
      %eq3A_120 = arith.cmpi eq, %jit3A_118, %eq3A_119 : i32
      %jit3A_121 = arith.constant 1 : i32
      %select_n3A_122 = arith.select %eq3A_120, %jit3A_121, %jit3A_118 : i32
      %rem3A_123 = arith.remsi %add3A_93, %select_n3A_122 : i32
      %ne3A_124 = arith.constant 0 : i32
      %ne3A_125 = arith.cmpi ne, %rem3A_123, %ne3A_124 : i32
      %lt3A_126 = arith.constant 0 : i32
      %lt3A_127 = arith.cmpi slt, %rem3A_123, %lt3A_126 : i32
      %lt3A_128 = arith.constant 0 : i32
      %lt3A_129 = arith.cmpi slt, %select_n3A_122, %lt3A_128 : i32
      %ne3A_130 = arith.xori %lt3A_127, %lt3A_129 : i1
      %and3A_131 = arith.andi %ne3A_130, %ne3A_125 : i1
      %add3A_132 = arith.addi %rem3A_123, %select_n3A_122 : i32
      %select_n3A_133 = arith.select %and3A_131, %add3A_132, %rem3A_123 : i32
      %mul3A_134 = arith.constant 128 : i32
      %mul3A_135 = arith.muli %select_n3A_133, %mul3A_134 : i32
      %dma_start3A_136 = tpu.memref_slice %arg4[%add3A, %select_n3A_117, %mul3A_135] : memref<32x80x128xi32, #tpu.memory_space<hbm>> -> memref<1x1x128xi32, #tpu.memory_space<hbm>>
      %dma_start3A_137 = tpu.memref_squeeze %dma_start3A_136 : memref<1x1x128xi32, #tpu.memory_space<hbm>> -> memref<128xi32, #tpu.memory_space<hbm>>
      %dma_start3A_138 = tpu.memref_slice %arg4[%add3A, %select_n3A_117, %mul3A_135] : memref<32x80x128xi32, #tpu.memory_space<hbm>> -> memref<1x1x128xi32, #tpu.memory_space<hbm>>
      %dma_start3A_139 = tpu.memref_squeeze %dma_start3A_138 : memref<1x1x128xi32, #tpu.memory_space<hbm>> -> memref<128xi32, #tpu.memory_space<hbm>>
      tpu.enqueue_dma source(%dma_start3A_139 : memref<128xi32, #tpu.memory_space<hbm>>) target(%arg8 : memref<128xi32, #tpu.memory_space<vmem>>) target_semaphore(%arg14 : memref<!tpu.dma_semaphore, #tpu.memory_space<semaphore_mem>>)
      %jit3A_140 = arith.constant 1 : i32
      %div3A_141 = arith.divsi %mul3A_52, %jit3A_140 : i32
      %sign3A_142 = arith.constant 0 : i32
      %sign3A_143 = arith.cmpi sgt, %mul3A_52, %sign3A_142 : i32
      %sign3A_144 = arith.extui %sign3A_143 : i1 to i32
      %sign3A_145 = arith.constant 0 : i32
      %sign3A_146 = arith.cmpi slt, %mul3A_52, %sign3A_145 : i32
      %sign3A_147 = arith.extui %sign3A_146 : i1 to i32
      %sign3A_148 = arith.subi %sign3A_144, %sign3A_147 : i32
      %sign3A_149 = arith.constant 0 : i32
      %sign3A_150 = arith.cmpi sgt, %jit3A_140, %sign3A_149 : i32
      %sign3A_151 = arith.extui %sign3A_150 : i1 to i32
      %sign3A_152 = arith.constant 0 : i32
      %sign3A_153 = arith.cmpi slt, %jit3A_140, %sign3A_152 : i32
      %sign3A_154 = arith.extui %sign3A_153 : i1 to i32
      %sign3A_155 = arith.subi %sign3A_151, %sign3A_154 : i32
      %ne3A_156 = arith.cmpi ne, %sign3A_148, %sign3A_155 : i32
      %rem3A_157 = arith.remsi %mul3A_52, %jit3A_140 : i32
      %ne3A_158 = arith.constant 0 : i32
      %ne3A_159 = arith.cmpi ne, %rem3A_157, %ne3A_158 : i32
      %and3A_160 = arith.andi %ne3A_156, %ne3A_159 : i1
      %sub3A_161 = arith.constant 1 : i32
      %sub3A_162 = arith.subi %div3A_141, %sub3A_161 : i32
      %select_n3A_163 = arith.select %and3A_160, %sub3A_162, %div3A_141 : i32
      %jit3A_164 = arith.constant 1 : i32
      %eq3A_165 = arith.constant 0 : i32
      %eq3A_166 = arith.cmpi eq, %jit3A_164, %eq3A_165 : i32
      %jit3A_167 = arith.constant 1 : i32
      %select_n3A_168 = arith.select %eq3A_166, %jit3A_167, %jit3A_164 : i32
      %rem3A_169 = arith.remsi %mul3A_52, %select_n3A_168 : i32
      %ne3A_170 = arith.constant 0 : i32
      %ne3A_171 = arith.cmpi ne, %rem3A_169, %ne3A_170 : i32
      %lt3A_172 = arith.constant 0 : i32
      %lt3A_173 = arith.cmpi slt, %rem3A_169, %lt3A_172 : i32
      %lt3A_174 = arith.constant 0 : i32
      %lt3A_175 = arith.cmpi slt, %select_n3A_168, %lt3A_174 : i32
      %ne3A_176 = arith.xori %lt3A_173, %lt3A_175 : i1
      %and3A_177 = arith.andi %ne3A_176, %ne3A_171 : i1
      %add3A_178 = arith.addi %rem3A_169, %select_n3A_168 : i32
      %select_n3A_179 = arith.select %and3A_177, %add3A_178, %rem3A_169 : i32
      %mul3A_180 = arith.constant 128 : i32
      %mul3A_181 = arith.muli %select_n3A_179, %mul3A_180 : i32
      %dma_wait3A = tpu.memref_slice %arg6[%select_n3A_163, %mul3A_181] : memref<80x128xi32, #tpu.memory_space<vmem>> -> memref<1x128xi32, #tpu.memory_space<vmem>>
      %dma_wait3A_182 = tpu.memref_squeeze %dma_wait3A : memref<1x128xi32, #tpu.memory_space<vmem>> -> memref<128xi32, #tpu.memory_space<vmem>>
      %dma_wait3A_183 = arith.constant 0 : i32
      %dma_wait3A_184 = arith.constant 0 : i32
      %dma_wait3A_185 = tpu.memref_slice %arg2[%dma_wait3A_183, %dma_wait3A_184] : memref<10000x128xf32, #tpu.memory_space<hbm>> -> memref<10000x128xf32, #tpu.memory_space<hbm>>
      tpu.wait_indirect_dma semaphore(%arg11 : memref<!tpu.dma_semaphore, #tpu.memory_space<semaphore_mem>>) src(%dma_wait3A_185 : memref<10000x128xf32, #tpu.memory_space<hbm>>) dst(%arg9 : memref<128x128xf32, #tpu.memory_space<vmem>>)
      %jit3A_186 = arith.constant 1 : i32
      %div3A_187 = arith.divsi %mul3A_52, %jit3A_186 : i32
      %sign3A_188 = arith.constant 0 : i32
      %sign3A_189 = arith.cmpi sgt, %mul3A_52, %sign3A_188 : i32
      %sign3A_190 = arith.extui %sign3A_189 : i1 to i32
      %sign3A_191 = arith.constant 0 : i32
      %sign3A_192 = arith.cmpi slt, %mul3A_52, %sign3A_191 : i32
      %sign3A_193 = arith.extui %sign3A_192 : i1 to i32
      %sign3A_194 = arith.subi %sign3A_190, %sign3A_193 : i32
      %sign3A_195 = arith.constant 0 : i32
      %sign3A_196 = arith.cmpi sgt, %jit3A_186, %sign3A_195 : i32
      %sign3A_197 = arith.extui %sign3A_196 : i1 to i32
      %sign3A_198 = arith.constant 0 : i32
      %sign3A_199 = arith.cmpi slt, %jit3A_186, %sign3A_198 : i32
      %sign3A_200 = arith.extui %sign3A_199 : i1 to i32
      %sign3A_201 = arith.subi %sign3A_197, %sign3A_200 : i32
      %ne3A_202 = arith.cmpi ne, %sign3A_194, %sign3A_201 : i32
      %rem3A_203 = arith.remsi %mul3A_52, %jit3A_186 : i32
      %ne3A_204 = arith.constant 0 : i32
      %ne3A_205 = arith.cmpi ne, %rem3A_203, %ne3A_204 : i32
      %and3A_206 = arith.andi %ne3A_202, %ne3A_205 : i1
      %sub3A_207 = arith.constant 1 : i32
      %sub3A_208 = arith.subi %div3A_187, %sub3A_207 : i32
      %select_n3A_209 = arith.select %and3A_206, %sub3A_208, %div3A_187 : i32
      %jit3A_210 = arith.constant 1 : i32
      %eq3A_211 = arith.constant 0 : i32
      %eq3A_212 = arith.cmpi eq, %jit3A_210, %eq3A_211 : i32
      %jit3A_213 = arith.constant 1 : i32
      %select_n3A_214 = arith.select %eq3A_212, %jit3A_213, %jit3A_210 : i32
      %rem3A_215 = arith.remsi %mul3A_52, %select_n3A_214 : i32
      %ne3A_216 = arith.constant 0 : i32
      %ne3A_217 = arith.cmpi ne, %rem3A_215, %ne3A_216 : i32
      %lt3A_218 = arith.constant 0 : i32
      %lt3A_219 = arith.cmpi slt, %rem3A_215, %lt3A_218 : i32
      %lt3A_220 = arith.constant 0 : i32
      %lt3A_221 = arith.cmpi slt, %select_n3A_214, %lt3A_220 : i32
      %ne3A_222 = arith.xori %lt3A_219, %lt3A_221 : i1
      %and3A_223 = arith.andi %ne3A_222, %ne3A_217 : i1
      %add3A_224 = arith.addi %rem3A_215, %select_n3A_214 : i32
      %select_n3A_225 = arith.select %and3A_223, %add3A_224, %rem3A_215 : i32
      %mul3A_226 = arith.constant 128 : i32
      %mul3A_227 = arith.muli %select_n3A_225, %mul3A_226 : i32
      %dma_wait3A_228 = tpu.memref_slice %arg4[%add3A, %select_n3A_209, %mul3A_227] : memref<32x80x128xi32, #tpu.memory_space<hbm>> -> memref<1x1x128xi32, #tpu.memory_space<hbm>>
      %dma_wait3A_229 = tpu.memref_squeeze %dma_wait3A_228 : memref<1x1x128xi32, #tpu.memory_space<hbm>> -> memref<128xi32, #tpu.memory_space<hbm>>
      %dma_wait3A_230 = tpu.memref_slice %arg4[%add3A, %select_n3A_209, %mul3A_227] : memref<32x80x128xi32, #tpu.memory_space<hbm>> -> memref<1x1x128xi32, #tpu.memory_space<hbm>>
      %dma_wait3A_231 = tpu.memref_squeeze %dma_wait3A_230 : memref<1x1x128xi32, #tpu.memory_space<hbm>> -> memref<128xi32, #tpu.memory_space<hbm>>
      tpu.wait_dma2 semaphore(%arg13 : memref<!tpu.dma_semaphore, #tpu.memory_space<semaphore_mem>>) src(%dma_wait3A_231 : memref<128xi32, #tpu.memory_space<hbm>>) dst(%arg7 : memref<128xi32, #tpu.memory_space<vmem>>)
      "tpu.region"() ({
        %run_scoped3A = tpu.sem_alloc : memref<!tpu.dma_semaphore, #tpu.memory_space<semaphore_mem>>
        %dma_start3A_334 = arith.constant 0 : i32
        %dma_start3A_335 = arith.constant 0 : i32
        %dma_start3A_336 = tpu.memref_slice %arg15[%dma_start3A_334, %dma_start3A_335] : memref<10240x128xf32, #tpu.memory_space<vmem_shared>> -> memref<10240x128xf32, #tpu.memory_space<vmem_shared>>
        tpu.enqueue_indirect_dma source(%arg9 : memref<128x128xf32, #tpu.memory_space<vmem>>) target(%dma_start3A_336 : memref<10240x128xf32, #tpu.memory_space<vmem_shared>>) offsets(%arg7 : memref<128xi32, #tpu.memory_space<vmem>>) semaphore(%run_scoped3A : memref<!tpu.dma_semaphore, #tpu.memory_space<semaphore_mem>>) {add = true}
        %dma_wait3A_337 = arith.constant 0 : i32
        %dma_wait3A_338 = arith.constant 0 : i32
        %dma_wait3A_339 = tpu.memref_slice %arg15[%dma_wait3A_337, %dma_wait3A_338] : memref<10240x128xf32, #tpu.memory_space<vmem_shared>> -> memref<10240x128xf32, #tpu.memory_space<vmem_shared>>
        tpu.wait_indirect_dma semaphore(%run_scoped3A : memref<!tpu.dma_semaphore, #tpu.memory_space<semaphore_mem>>) src(%arg9 : memref<128x128xf32, #tpu.memory_space<vmem>>) dst(%dma_wait3A_339 : memref<10240x128xf32, #tpu.memory_space<vmem_shared>>)
        tpu.yield
      }) : () -> ()
      %add3A_232 = arith.constant 2 : i32
      %add3A_233 = arith.addi %mul3A_52, %add3A_232 : i32
      %lt3A_234 = arith.constant 80 : i32
      %lt3A_235 = arith.cmpi slt, %add3A_233, %lt3A_234 : i32
      %convert_element_type3A = arith.extui %lt3A_235 : i1 to i32
      %cond3A = arith.constant 0 : i32
      %cond3A_236 = arith.cmpi ne, %convert_element_type3A, %cond3A : i32
      scf.if %cond3A_236 {
        %add3A_334 = arith.constant 2 : i32
        %add3A_335 = arith.addi %mul3A_52, %add3A_334 : i32
        %jit3A_336 = arith.constant 1 : i32
        %div3A_337 = arith.divsi %add3A_335, %jit3A_336 : i32
        %sign3A_338 = arith.constant 0 : i32
        %sign3A_339 = arith.cmpi sgt, %add3A_335, %sign3A_338 : i32
        %sign3A_340 = arith.extui %sign3A_339 : i1 to i32
        %sign3A_341 = arith.constant 0 : i32
        %sign3A_342 = arith.cmpi slt, %add3A_335, %sign3A_341 : i32
        %sign3A_343 = arith.extui %sign3A_342 : i1 to i32
        %sign3A_344 = arith.subi %sign3A_340, %sign3A_343 : i32
        %sign3A_345 = arith.constant 0 : i32
        %sign3A_346 = arith.cmpi sgt, %jit3A_336, %sign3A_345 : i32
        %sign3A_347 = arith.extui %sign3A_346 : i1 to i32
        %sign3A_348 = arith.constant 0 : i32
        %sign3A_349 = arith.cmpi slt, %jit3A_336, %sign3A_348 : i32
        %sign3A_350 = arith.extui %sign3A_349 : i1 to i32
        %sign3A_351 = arith.subi %sign3A_347, %sign3A_350 : i32
        %ne3A_352 = arith.cmpi ne, %sign3A_344, %sign3A_351 : i32
        %rem3A_353 = arith.remsi %add3A_335, %jit3A_336 : i32
        %ne3A_354 = arith.constant 0 : i32
        %ne3A_355 = arith.cmpi ne, %rem3A_353, %ne3A_354 : i32
        %and3A_356 = arith.andi %ne3A_352, %ne3A_355 : i1
        %sub3A_357 = arith.constant 1 : i32
        %sub3A_358 = arith.subi %div3A_337, %sub3A_357 : i32
        %select_n3A_359 = arith.select %and3A_356, %sub3A_358, %div3A_337 : i32
        %jit3A_360 = arith.constant 1 : i32
        %eq3A_361 = arith.constant 0 : i32
        %eq3A_362 = arith.cmpi eq, %jit3A_360, %eq3A_361 : i32
        %jit3A_363 = arith.constant 1 : i32
        %select_n3A_364 = arith.select %eq3A_362, %jit3A_363, %jit3A_360 : i32
        %rem3A_365 = arith.remsi %add3A_335, %select_n3A_364 : i32
        %ne3A_366 = arith.constant 0 : i32
        %ne3A_367 = arith.cmpi ne, %rem3A_365, %ne3A_366 : i32
        %lt3A_368 = arith.constant 0 : i32
        %lt3A_369 = arith.cmpi slt, %rem3A_365, %lt3A_368 : i32
        %lt3A_370 = arith.constant 0 : i32
        %lt3A_371 = arith.cmpi slt, %select_n3A_364, %lt3A_370 : i32
        %ne3A_372 = arith.xori %lt3A_369, %lt3A_371 : i1
        %and3A_373 = arith.andi %ne3A_372, %ne3A_367 : i1
        %add3A_374 = arith.addi %rem3A_365, %select_n3A_364 : i32
        %select_n3A_375 = arith.select %and3A_373, %add3A_374, %rem3A_365 : i32
        %mul3A_376 = arith.constant 128 : i32
        %mul3A_377 = arith.muli %select_n3A_375, %mul3A_376 : i32
        %dma_start3A_378 = tpu.memref_slice %arg4[%add3A, %select_n3A_359, %mul3A_377] : memref<32x80x128xi32, #tpu.memory_space<hbm>> -> memref<1x1x128xi32, #tpu.memory_space<hbm>>
        %dma_start3A_379 = tpu.memref_squeeze %dma_start3A_378 : memref<1x1x128xi32, #tpu.memory_space<hbm>> -> memref<128xi32, #tpu.memory_space<hbm>>
        %dma_start3A_380 = tpu.memref_slice %arg4[%add3A, %select_n3A_359, %mul3A_377] : memref<32x80x128xi32, #tpu.memory_space<hbm>> -> memref<1x1x128xi32, #tpu.memory_space<hbm>>
        %dma_start3A_381 = tpu.memref_squeeze %dma_start3A_380 : memref<1x1x128xi32, #tpu.memory_space<hbm>> -> memref<128xi32, #tpu.memory_space<hbm>>
        tpu.enqueue_dma source(%dma_start3A_381 : memref<128xi32, #tpu.memory_space<hbm>>) target(%arg7 : memref<128xi32, #tpu.memory_space<vmem>>) target_semaphore(%arg13 : memref<!tpu.dma_semaphore, #tpu.memory_space<semaphore_mem>>)
        %add3A_382 = arith.constant 2 : i32
        %add3A_383 = arith.addi %mul3A_52, %add3A_382 : i32
        %jit3A_384 = arith.constant 1 : i32
        %div3A_385 = arith.divsi %add3A_383, %jit3A_384 : i32
        %sign3A_386 = arith.constant 0 : i32
        %sign3A_387 = arith.cmpi sgt, %add3A_383, %sign3A_386 : i32
        %sign3A_388 = arith.extui %sign3A_387 : i1 to i32
        %sign3A_389 = arith.constant 0 : i32
        %sign3A_390 = arith.cmpi slt, %add3A_383, %sign3A_389 : i32
        %sign3A_391 = arith.extui %sign3A_390 : i1 to i32
        %sign3A_392 = arith.subi %sign3A_388, %sign3A_391 : i32
        %sign3A_393 = arith.constant 0 : i32
        %sign3A_394 = arith.cmpi sgt, %jit3A_384, %sign3A_393 : i32
        %sign3A_395 = arith.extui %sign3A_394 : i1 to i32
        %sign3A_396 = arith.constant 0 : i32
        %sign3A_397 = arith.cmpi slt, %jit3A_384, %sign3A_396 : i32
        %sign3A_398 = arith.extui %sign3A_397 : i1 to i32
        %sign3A_399 = arith.subi %sign3A_395, %sign3A_398 : i32
        %ne3A_400 = arith.cmpi ne, %sign3A_392, %sign3A_399 : i32
        %rem3A_401 = arith.remsi %add3A_383, %jit3A_384 : i32
        %ne3A_402 = arith.constant 0 : i32
        %ne3A_403 = arith.cmpi ne, %rem3A_401, %ne3A_402 : i32
        %and3A_404 = arith.andi %ne3A_400, %ne3A_403 : i1
        %sub3A_405 = arith.constant 1 : i32
        %sub3A_406 = arith.subi %div3A_385, %sub3A_405 : i32
        %select_n3A_407 = arith.select %and3A_404, %sub3A_406, %div3A_385 : i32
        %jit3A_408 = arith.constant 1 : i32
        %eq3A_409 = arith.constant 0 : i32
        %eq3A_410 = arith.cmpi eq, %jit3A_408, %eq3A_409 : i32
        %jit3A_411 = arith.constant 1 : i32
        %select_n3A_412 = arith.select %eq3A_410, %jit3A_411, %jit3A_408 : i32
        %rem3A_413 = arith.remsi %add3A_383, %select_n3A_412 : i32
        %ne3A_414 = arith.constant 0 : i32
        %ne3A_415 = arith.cmpi ne, %rem3A_413, %ne3A_414 : i32
        %lt3A_416 = arith.constant 0 : i32
        %lt3A_417 = arith.cmpi slt, %rem3A_413, %lt3A_416 : i32
        %lt3A_418 = arith.constant 0 : i32
        %lt3A_419 = arith.cmpi slt, %select_n3A_412, %lt3A_418 : i32
        %ne3A_420 = arith.xori %lt3A_417, %lt3A_419 : i1
        %and3A_421 = arith.andi %ne3A_420, %ne3A_415 : i1
        %add3A_422 = arith.addi %rem3A_413, %select_n3A_412 : i32
        %select_n3A_423 = arith.select %and3A_421, %add3A_422, %rem3A_413 : i32
        %mul3A_424 = arith.constant 128 : i32
        %mul3A_425 = arith.muli %select_n3A_423, %mul3A_424 : i32
        %dma_start3A_426 = tpu.memref_slice %arg6[%select_n3A_407, %mul3A_425] : memref<80x128xi32, #tpu.memory_space<vmem>> -> memref<1x128xi32, #tpu.memory_space<vmem>>
        %dma_start3A_427 = tpu.memref_squeeze %dma_start3A_426 : memref<1x128xi32, #tpu.memory_space<vmem>> -> memref<128xi32, #tpu.memory_space<vmem>>
        %dma_start3A_428 = arith.constant 0 : i32
        %dma_start3A_429 = arith.constant 0 : i32
        %dma_start3A_430 = tpu.memref_slice %arg2[%dma_start3A_428, %dma_start3A_429] : memref<10000x128xf32, #tpu.memory_space<hbm>> -> memref<10000x128xf32, #tpu.memory_space<hbm>>
        tpu.enqueue_indirect_dma source(%dma_start3A_430 : memref<10000x128xf32, #tpu.memory_space<hbm>>) target(%arg9 : memref<128x128xf32, #tpu.memory_space<vmem>>) offsets(%dma_start3A_427 : memref<128xi32, #tpu.memory_space<vmem>>) semaphore(%arg11 : memref<!tpu.dma_semaphore, #tpu.memory_space<semaphore_mem>>)
      } else {
      }
      %add3A_237 = arith.constant 1 : i32
      %add3A_238 = arith.addi %mul3A_52, %add3A_237 : i32
      %jit3A_239 = arith.constant 1 : i32
      %div3A_240 = arith.divsi %add3A_238, %jit3A_239 : i32
      %sign3A_241 = arith.constant 0 : i32
      %sign3A_242 = arith.cmpi sgt, %add3A_238, %sign3A_241 : i32
      %sign3A_243 = arith.extui %sign3A_242 : i1 to i32
      %sign3A_244 = arith.constant 0 : i32
      %sign3A_245 = arith.cmpi slt, %add3A_238, %sign3A_244 : i32
      %sign3A_246 = arith.extui %sign3A_245 : i1 to i32
      %sign3A_247 = arith.subi %sign3A_243, %sign3A_246 : i32
      %sign3A_248 = arith.constant 0 : i32
      %sign3A_249 = arith.cmpi sgt, %jit3A_239, %sign3A_248 : i32
      %sign3A_250 = arith.extui %sign3A_249 : i1 to i32
      %sign3A_251 = arith.constant 0 : i32
      %sign3A_252 = arith.cmpi slt, %jit3A_239, %sign3A_251 : i32
      %sign3A_253 = arith.extui %sign3A_252 : i1 to i32
      %sign3A_254 = arith.subi %sign3A_250, %sign3A_253 : i32
      %ne3A_255 = arith.cmpi ne, %sign3A_247, %sign3A_254 : i32
      %rem3A_256 = arith.remsi %add3A_238, %jit3A_239 : i32
      %ne3A_257 = arith.constant 0 : i32
      %ne3A_258 = arith.cmpi ne, %rem3A_256, %ne3A_257 : i32
      %and3A_259 = arith.andi %ne3A_255, %ne3A_258 : i1
      %sub3A_260 = arith.constant 1 : i32
      %sub3A_261 = arith.subi %div3A_240, %sub3A_260 : i32
      %select_n3A_262 = arith.select %and3A_259, %sub3A_261, %div3A_240 : i32
      %jit3A_263 = arith.constant 1 : i32
      %eq3A_264 = arith.constant 0 : i32
      %eq3A_265 = arith.cmpi eq, %jit3A_263, %eq3A_264 : i32
      %jit3A_266 = arith.constant 1 : i32
      %select_n3A_267 = arith.select %eq3A_265, %jit3A_266, %jit3A_263 : i32
      %rem3A_268 = arith.remsi %add3A_238, %select_n3A_267 : i32
      %ne3A_269 = arith.constant 0 : i32
      %ne3A_270 = arith.cmpi ne, %rem3A_268, %ne3A_269 : i32
      %lt3A_271 = arith.constant 0 : i32
      %lt3A_272 = arith.cmpi slt, %rem3A_268, %lt3A_271 : i32
      %lt3A_273 = arith.constant 0 : i32
      %lt3A_274 = arith.cmpi slt, %select_n3A_267, %lt3A_273 : i32
      %ne3A_275 = arith.xori %lt3A_272, %lt3A_274 : i1
      %and3A_276 = arith.andi %ne3A_275, %ne3A_270 : i1
      %add3A_277 = arith.addi %rem3A_268, %select_n3A_267 : i32
      %select_n3A_278 = arith.select %and3A_276, %add3A_277, %rem3A_268 : i32
      %mul3A_279 = arith.constant 128 : i32
      %mul3A_280 = arith.muli %select_n3A_278, %mul3A_279 : i32
      %dma_wait3A_281 = tpu.memref_slice %arg6[%select_n3A_262, %mul3A_280] : memref<80x128xi32, #tpu.memory_space<vmem>> -> memref<1x128xi32, #tpu.memory_space<vmem>>
      %dma_wait3A_282 = tpu.memref_squeeze %dma_wait3A_281 : memref<1x128xi32, #tpu.memory_space<vmem>> -> memref<128xi32, #tpu.memory_space<vmem>>
      %dma_wait3A_283 = arith.constant 0 : i32
      %dma_wait3A_284 = arith.constant 0 : i32
      %dma_wait3A_285 = tpu.memref_slice %arg2[%dma_wait3A_283, %dma_wait3A_284] : memref<10000x128xf32, #tpu.memory_space<hbm>> -> memref<10000x128xf32, #tpu.memory_space<hbm>>
      tpu.wait_indirect_dma semaphore(%arg12 : memref<!tpu.dma_semaphore, #tpu.memory_space<semaphore_mem>>) src(%dma_wait3A_285 : memref<10000x128xf32, #tpu.memory_space<hbm>>) dst(%arg10 : memref<128x128xf32, #tpu.memory_space<vmem>>)
      %add3A_286 = arith.constant 1 : i32
      %add3A_287 = arith.addi %mul3A_52, %add3A_286 : i32
      %jit3A_288 = arith.constant 1 : i32
      %div3A_289 = arith.divsi %add3A_287, %jit3A_288 : i32
      %sign3A_290 = arith.constant 0 : i32
      %sign3A_291 = arith.cmpi sgt, %add3A_287, %sign3A_290 : i32
      %sign3A_292 = arith.extui %sign3A_291 : i1 to i32
      %sign3A_293 = arith.constant 0 : i32
      %sign3A_294 = arith.cmpi slt, %add3A_287, %sign3A_293 : i32
      %sign3A_295 = arith.extui %sign3A_294 : i1 to i32
      %sign3A_296 = arith.subi %sign3A_292, %sign3A_295 : i32
      %sign3A_297 = arith.constant 0 : i32
      %sign3A_298 = arith.cmpi sgt, %jit3A_288, %sign3A_297 : i32
      %sign3A_299 = arith.extui %sign3A_298 : i1 to i32
      %sign3A_300 = arith.constant 0 : i32
      %sign3A_301 = arith.cmpi slt, %jit3A_288, %sign3A_300 : i32
      %sign3A_302 = arith.extui %sign3A_301 : i1 to i32
      %sign3A_303 = arith.subi %sign3A_299, %sign3A_302 : i32
      %ne3A_304 = arith.cmpi ne, %sign3A_296, %sign3A_303 : i32
      %rem3A_305 = arith.remsi %add3A_287, %jit3A_288 : i32
      %ne3A_306 = arith.constant 0 : i32
      %ne3A_307 = arith.cmpi ne, %rem3A_305, %ne3A_306 : i32
      %and3A_308 = arith.andi %ne3A_304, %ne3A_307 : i1
      %sub3A_309 = arith.constant 1 : i32
      %sub3A_310 = arith.subi %div3A_289, %sub3A_309 : i32
      %select_n3A_311 = arith.select %and3A_308, %sub3A_310, %div3A_289 : i32
      %jit3A_312 = arith.constant 1 : i32
      %eq3A_313 = arith.constant 0 : i32
      %eq3A_314 = arith.cmpi eq, %jit3A_312, %eq3A_313 : i32
      %jit3A_315 = arith.constant 1 : i32
      %select_n3A_316 = arith.select %eq3A_314, %jit3A_315, %jit3A_312 : i32
      %rem3A_317 = arith.remsi %add3A_287, %select_n3A_316 : i32
      %ne3A_318 = arith.constant 0 : i32
      %ne3A_319 = arith.cmpi ne, %rem3A_317, %ne3A_318 : i32
      %lt3A_320 = arith.constant 0 : i32
      %lt3A_321 = arith.cmpi slt, %rem3A_317, %lt3A_320 : i32
      %lt3A_322 = arith.constant 0 : i32
      %lt3A_323 = arith.cmpi slt, %select_n3A_316, %lt3A_322 : i32
      %ne3A_324 = arith.xori %lt3A_321, %lt3A_323 : i1
      %and3A_325 = arith.andi %ne3A_324, %ne3A_319 : i1
      %add3A_326 = arith.addi %rem3A_317, %select_n3A_316 : i32
      %select_n3A_327 = arith.select %and3A_325, %add3A_326, %rem3A_317 : i32
      %mul3A_328 = arith.constant 128 : i32
      %mul3A_329 = arith.muli %select_n3A_327, %mul3A_328 : i32
      %dma_wait3A_330 = tpu.memref_slice %arg4[%add3A, %select_n3A_311, %mul3A_329] : memref<32x80x128xi32, #tpu.memory_space<hbm>> -> memref<1x1x128xi32, #tpu.memory_space<hbm>>
      %dma_wait3A_331 = tpu.memref_squeeze %dma_wait3A_330 : memref<1x1x128xi32, #tpu.memory_space<hbm>> -> memref<128xi32, #tpu.memory_space<hbm>>
      %dma_wait3A_332 = tpu.memref_slice %arg4[%add3A, %select_n3A_311, %mul3A_329] : memref<32x80x128xi32, #tpu.memory_space<hbm>> -> memref<1x1x128xi32, #tpu.memory_space<hbm>>
      %dma_wait3A_333 = tpu.memref_squeeze %dma_wait3A_332 : memref<1x1x128xi32, #tpu.memory_space<hbm>> -> memref<128xi32, #tpu.memory_space<hbm>>
      tpu.wait_dma2 semaphore(%arg14 : memref<!tpu.dma_semaphore, #tpu.memory_space<semaphore_mem>>) src(%dma_wait3A_333 : memref<128xi32, #tpu.memory_space<hbm>>) dst(%arg8 : memref<128xi32, #tpu.memory_space<vmem>>)
      "tpu.region"() ({
        %run_scoped3A = tpu.sem_alloc : memref<!tpu.dma_semaphore, #tpu.memory_space<semaphore_mem>>
        %dma_start3A_334 = arith.constant 0 : i32
        %dma_start3A_335 = arith.constant 0 : i32
        %dma_start3A_336 = tpu.memref_slice %arg15[%dma_start3A_334, %dma_start3A_335] : memref<10240x128xf32, #tpu.memory_space<vmem_shared>> -> memref<10240x128xf32, #tpu.memory_space<vmem_shared>>
        tpu.enqueue_indirect_dma source(%arg10 : memref<128x128xf32, #tpu.memory_space<vmem>>) target(%dma_start3A_336 : memref<10240x128xf32, #tpu.memory_space<vmem_shared>>) offsets(%arg8 : memref<128xi32, #tpu.memory_space<vmem>>) semaphore(%run_scoped3A : memref<!tpu.dma_semaphore, #tpu.memory_space<semaphore_mem>>) {add = true}
        %dma_wait3A_337 = arith.constant 0 : i32
        %dma_wait3A_338 = arith.constant 0 : i32
        %dma_wait3A_339 = tpu.memref_slice %arg15[%dma_wait3A_337, %dma_wait3A_338] : memref<10240x128xf32, #tpu.memory_space<vmem_shared>> -> memref<10240x128xf32, #tpu.memory_space<vmem_shared>>
        tpu.wait_indirect_dma semaphore(%run_scoped3A : memref<!tpu.dma_semaphore, #tpu.memory_space<semaphore_mem>>) src(%arg10 : memref<128x128xf32, #tpu.memory_space<vmem>>) dst(%dma_wait3A_339 : memref<10240x128xf32, #tpu.memory_space<vmem_shared>>)
        tpu.yield
      }) : () -> ()
    }
    %scan3A_44 = arith.constant 40 : i32
    %barrier3A_45 = arith.constant 0 : index
    tpu.barrier barrier_id(%barrier3A_45)
    %mul3A_46 = arith.constant 640 : i32
    %mul3A_47 = arith.muli %arg1, %mul3A_46 : i32
    %mul3A_48 = arith.constant 640 : i32
    %mul3A_49 = arith.muli %arg1, %mul3A_48 : i32
    "tpu.region"() ({
      %run_scoped3A = tpu.sem_alloc : memref<!tpu.dma_semaphore, #tpu.memory_space<semaphore_mem>>
      %dma_start3A_50 = arith.constant 0 : i32
      %dma_start3A_51 = tpu.memref_slice %arg5[%arg0, %mul3A_49, %dma_start3A_50] : memref<2x10240x128xf32, #tpu.memory_space<hbm>> -> memref<1x640x128xf32, #tpu.memory_space<hbm>>
      %dma_start3A_52 = tpu.memref_squeeze %dma_start3A_51 : memref<1x640x128xf32, #tpu.memory_space<hbm>> -> memref<640x128xf32, #tpu.memory_space<hbm>>
      %dma_start3A_53 = arith.constant 0 : i32
      %dma_start3A_54 = tpu.memref_slice %arg15[%mul3A_47, %dma_start3A_53] : memref<10240x128xf32, #tpu.memory_space<vmem_shared>> -> memref<640x128xf32, #tpu.memory_space<vmem_shared>>
      tpu.enqueue_dma source(%dma_start3A_54 : memref<640x128xf32, #tpu.memory_space<vmem_shared>>) target(%dma_start3A_52 : memref<640x128xf32, #tpu.memory_space<hbm>>) target_semaphore(%run_scoped3A : memref<!tpu.dma_semaphore, #tpu.memory_space<semaphore_mem>>)
      %dma_wait3A = arith.constant 0 : i32
      %dma_wait3A_55 = tpu.memref_slice %arg5[%arg0, %mul3A_49, %dma_wait3A] : memref<2x10240x128xf32, #tpu.memory_space<hbm>> -> memref<1x640x128xf32, #tpu.memory_space<hbm>>
      %dma_wait3A_56 = tpu.memref_squeeze %dma_wait3A_55 : memref<1x640x128xf32, #tpu.memory_space<hbm>> -> memref<640x128xf32, #tpu.memory_space<hbm>>
      %dma_wait3A_57 = arith.constant 0 : i32
      %dma_wait3A_58 = tpu.memref_slice %arg15[%mul3A_47, %dma_wait3A_57] : memref<10240x128xf32, #tpu.memory_space<vmem_shared>> -> memref<640x128xf32, #tpu.memory_space<vmem_shared>>
      tpu.wait_dma2 semaphore(%run_scoped3A : memref<!tpu.dma_semaphore, #tpu.memory_space<semaphore_mem>>) src(%dma_wait3A_58 : memref<640x128xf32, #tpu.memory_space<vmem_shared>>) dst(%dma_wait3A_56 : memref<640x128xf32, #tpu.memory_space<hbm>>)
      tpu.yield
    }) : () -> ()
    return
  }
}

#map = affine_map<(d0, d1) -> (0, 0)>
#map1 = affine_map<(d0, d1) -> (0, 0, 0)>
module attributes {stable_mosaic.version = 14 : i64} {
  func.func @seg(%arg0: i32, %arg1: i32, %arg2: memref<10000x128xf32, #tpu.memory_space<hbm>>, %arg3: memref<32x80x128xi32, #tpu.memory_space<hbm>>, %arg4: memref<32x80x128xi32, #tpu.memory_space<hbm>>, %arg5: memref<2x10240x128xf32, #tpu.memory_space<hbm>>, %arg6: memref<80x128xi32, #tpu.memory_space<vmem>>, %arg7: memref<128xi32, #tpu.memory_space<vmem>>, %arg8: memref<128xi32, #tpu.memory_space<vmem>>, %arg9: memref<128x128xf32, #tpu.memory_space<vmem>>, %arg10: memref<128x128xf32, #tpu.memory_space<vmem>>, %arg11: memref<!tpu.dma_semaphore, #tpu.memory_space<semaphore_mem>>, %arg12: memref<!tpu.dma_semaphore, #tpu.memory_space<semaphore_mem>>, %arg13: memref<!tpu.dma_semaphore, #tpu.memory_space<semaphore_mem>>, %arg14: memref<!tpu.dma_semaphore, #tpu.memory_space<semaphore_mem>>, %arg15: memref<10240x128xf32, #tpu.memory_space<vmem_shared>>) attributes {dimension_semantics = [#tpu.dimension_semantics<core_parallel>, #tpu.dimension_semantics<subcore_parallel>], iteration_bounds = array<i64: 2, 16>, scalar_prefetch = 0 : i64, scratch_operands = 10 : i64, tpu.core_type = #tpu.core_type<sc_vector_subcore>, window_params = [{transform_indices = #map}, {transform_indices = #map1}, {transform_indices = #map1}, {transform_indices = #map1}]} {
    %mul3A = arith.constant 2 : i32
    %mul3A_0 = arith.muli %arg1, %mul3A : i32
    %add3A = arith.addi %mul3A_0, %arg0 : i32
    "tpu.region"() ({
      %run_scoped3A = tpu.sem_alloc : memref<!tpu.dma_semaphore, #tpu.memory_space<semaphore_mem>>
      %dma_start3A_50 = arith.constant 0 : i32
      %dma_start3A_51 = arith.constant 0 : i32
      %dma_start3A_52 = tpu.memref_slice %arg3[%add3A, %dma_start3A_50, %dma_start3A_51] : memref<32x80x128xi32, #tpu.memory_space<hbm>> -> memref<1x80x128xi32, #tpu.memory_space<hbm>>
      %dma_start3A_53 = tpu.memref_squeeze %dma_start3A_52 : memref<1x80x128xi32, #tpu.memory_space<hbm>> -> memref<80x128xi32, #tpu.memory_space<hbm>>
      %dma_start3A_54 = arith.constant 0 : i32
      %dma_start3A_55 = arith.constant 0 : i32
      %dma_start3A_56 = tpu.memref_slice %arg3[%add3A, %dma_start3A_54, %dma_start3A_55] : memref<32x80x128xi32, #tpu.memory_space<hbm>> -> memref<1x80x128xi32, #tpu.memory_space<hbm>>
      %dma_start3A_57 = tpu.memref_squeeze %dma_start3A_56 : memref<1x80x128xi32, #tpu.memory_space<hbm>> -> memref<80x128xi32, #tpu.memory_space<hbm>>
      tpu.enqueue_dma source(%dma_start3A_57 : memref<80x128xi32, #tpu.memory_space<hbm>>) target(%arg6 : memref<80x128xi32, #tpu.memory_space<vmem>>) target_semaphore(%run_scoped3A : memref<!tpu.dma_semaphore, #tpu.memory_space<semaphore_mem>>)
      %dma_wait3A = arith.constant 0 : i32
      %dma_wait3A_58 = arith.constant 0 : i32
      %dma_wait3A_59 = tpu.memref_slice %arg3[%add3A, %dma_wait3A, %dma_wait3A_58] : memref<32x80x128xi32, #tpu.memory_space<hbm>> -> memref<1x80x128xi32, #tpu.memory_space<hbm>>
      %dma_wait3A_60 = tpu.memref_squeeze %dma_wait3A_59 : memref<1x80x128xi32, #tpu.memory_space<hbm>> -> memref<80x128xi32, #tpu.memory_space<hbm>>
      %dma_wait3A_61 = arith.constant 0 : i32
      %dma_wait3A_62 = arith.constant 0 : i32
      %dma_wait3A_63 = tpu.memref_slice %arg3[%add3A, %dma_wait3A_61, %dma_wait3A_62] : memref<32x80x128xi32, #tpu.memory_space<hbm>> -> memref<1x80x128xi32, #tpu.memory_space<hbm>>
      %dma_wait3A_64 = tpu.memref_squeeze %dma_wait3A_63 : memref<1x80x128xi32, #tpu.memory_space<hbm>> -> memref<80x128xi32, #tpu.memory_space<hbm>>
      tpu.wait_dma2 semaphore(%run_scoped3A : memref<!tpu.dma_semaphore, #tpu.memory_space<semaphore_mem>>) src(%dma_wait3A_64 : memref<80x128xi32, #tpu.memory_space<hbm>>) dst(%arg6 : memref<80x128xi32, #tpu.memory_space<vmem>>)
      tpu.yield
    }) : () -> ()
    %scan3A = arith.constant 0 : i32
    %scan3A_1 = arith.constant 0 : i32
    %scan3A_2 = arith.constant 128 : i32
    %scan3A_3 = arith.addi %scan3A_1, %scan3A_2 : i32
    %scan3A_4 = arith.constant 1 : i32
    scf.for %scan3A_50 = %scan3A_1 to %scan3A_3 step %scan3A_4  : i32 {
      %broadcast_in_dim3A = arith.constant 0.000000e+00 : f32
      %broadcast_in_dim3A_51 = vector.broadcast %broadcast_in_dim3A : f32 to vector<16xf32>
      %swap3A = arith.index_cast %scan3A_50 : i32 to index
      %swap3A_52 = arith.constant 0 : index
      %swap3A_53 = tpu.vector_load %arg9[%swap3A, %swap3A_52] {strides = array<i32>} : memref<128x128xf32, #tpu.memory_space<vmem>>, vector<1x16xf32>,
      %swap3A_54 = vector.shape_cast %swap3A_53 : vector<1x16xf32> to vector<16xf32>
      %swap3A_55 = vector.shape_cast %broadcast_in_dim3A_51 : vector<16xf32> to vector<1x16xf32>
      tpu.vector_store %arg9[%swap3A, %swap3A_52], %swap3A_55 {strides = array<i32>} : memref<128x128xf32, #tpu.memory_space<vmem>>, vector<1x16xf32>,
      %broadcast_in_dim3A_56 = arith.constant 0.000000e+00 : f32
      %broadcast_in_dim3A_57 = vector.broadcast %broadcast_in_dim3A_56 : f32 to vector<16xf32>
      %swap3A_58 = arith.index_cast %scan3A_50 : i32 to index
      %swap3A_59 = arith.constant 16 : index
      %swap3A_60 = tpu.vector_load %arg9[%swap3A_58, %swap3A_59] {strides = array<i32>} : memref<128x128xf32, #tpu.memory_space<vmem>>, vector<1x16xf32>,
      %swap3A_61 = vector.shape_cast %swap3A_60 : vector<1x16xf32> to vector<16xf32>
      %swap3A_62 = vector.shape_cast %broadcast_in_dim3A_57 : vector<16xf32> to vector<1x16xf32>
      tpu.vector_store %arg9[%swap3A_58, %swap3A_59], %swap3A_62 {strides = array<i32>} : memref<128x128xf32, #tpu.memory_space<vmem>>, vector<1x16xf32>,
      %broadcast_in_dim3A_63 = arith.constant 0.000000e+00 : f32
      %broadcast_in_dim3A_64 = vector.broadcast %broadcast_in_dim3A_63 : f32 to vector<16xf32>
      %swap3A_65 = arith.index_cast %scan3A_50 : i32 to index
      %swap3A_66 = arith.constant 32 : index
      %swap3A_67 = tpu.vector_load %arg9[%swap3A_65, %swap3A_66] {strides = array<i32>} : memref<128x128xf32, #tpu.memory_space<vmem>>, vector<1x16xf32>,
      %swap3A_68 = vector.shape_cast %swap3A_67 : vector<1x16xf32> to vector<16xf32>
      %swap3A_69 = vector.shape_cast %broadcast_in_dim3A_64 : vector<16xf32> to vector<1x16xf32>
      tpu.vector_store %arg9[%swap3A_65, %swap3A_66], %swap3A_69 {strides = array<i32>} : memref<128x128xf32, #tpu.memory_space<vmem>>, vector<1x16xf32>,
      %broadcast_in_dim3A_70 = arith.constant 0.000000e+00 : f32
      %broadcast_in_dim3A_71 = vector.broadcast %broadcast_in_dim3A_70 : f32 to vector<16xf32>
      %swap3A_72 = arith.index_cast %scan3A_50 : i32 to index
      %swap3A_73 = arith.constant 48 : index
      %swap3A_74 = tpu.vector_load %arg9[%swap3A_72, %swap3A_73] {strides = array<i32>} : memref<128x128xf32, #tpu.memory_space<vmem>>, vector<1x16xf32>,
      %swap3A_75 = vector.shape_cast %swap3A_74 : vector<1x16xf32> to vector<16xf32>
      %swap3A_76 = vector.shape_cast %broadcast_in_dim3A_71 : vector<16xf32> to vector<1x16xf32>
      tpu.vector_store %arg9[%swap3A_72, %swap3A_73], %swap3A_76 {strides = array<i32>} : memref<128x128xf32, #tpu.memory_space<vmem>>, vector<1x16xf32>,
      %broadcast_in_dim3A_77 = arith.constant 0.000000e+00 : f32
      %broadcast_in_dim3A_78 = vector.broadcast %broadcast_in_dim3A_77 : f32 to vector<16xf32>
      %swap3A_79 = arith.index_cast %scan3A_50 : i32 to index
      %swap3A_80 = arith.constant 64 : index
      %swap3A_81 = tpu.vector_load %arg9[%swap3A_79, %swap3A_80] {strides = array<i32>} : memref<128x128xf32, #tpu.memory_space<vmem>>, vector<1x16xf32>,
      %swap3A_82 = vector.shape_cast %swap3A_81 : vector<1x16xf32> to vector<16xf32>
      %swap3A_83 = vector.shape_cast %broadcast_in_dim3A_78 : vector<16xf32> to vector<1x16xf32>
      tpu.vector_store %arg9[%swap3A_79, %swap3A_80], %swap3A_83 {strides = array<i32>} : memref<128x128xf32, #tpu.memory_space<vmem>>, vector<1x16xf32>,
      %broadcast_in_dim3A_84 = arith.constant 0.000000e+00 : f32
      %broadcast_in_dim3A_85 = vector.broadcast %broadcast_in_dim3A_84 : f32 to vector<16xf32>
      %swap3A_86 = arith.index_cast %scan3A_50 : i32 to index
      %swap3A_87 = arith.constant 80 : index
      %swap3A_88 = tpu.vector_load %arg9[%swap3A_86, %swap3A_87] {strides = array<i32>} : memref<128x128xf32, #tpu.memory_space<vmem>>, vector<1x16xf32>,
      %swap3A_89 = vector.shape_cast %swap3A_88 : vector<1x16xf32> to vector<16xf32>
      %swap3A_90 = vector.shape_cast %broadcast_in_dim3A_85 : vector<16xf32> to vector<1x16xf32>
      tpu.vector_store %arg9[%swap3A_86, %swap3A_87], %swap3A_90 {strides = array<i32>} : memref<128x128xf32, #tpu.memory_space<vmem>>, vector<1x16xf32>,
      %broadcast_in_dim3A_91 = arith.constant 0.000000e+00 : f32
      %broadcast_in_dim3A_92 = vector.broadcast %broadcast_in_dim3A_91 : f32 to vector<16xf32>
      %swap3A_93 = arith.index_cast %scan3A_50 : i32 to index
      %swap3A_94 = arith.constant 96 : index
      %swap3A_95 = tpu.vector_load %arg9[%swap3A_93, %swap3A_94] {strides = array<i32>} : memref<128x128xf32, #tpu.memory_space<vmem>>, vector<1x16xf32>,
      %swap3A_96 = vector.shape_cast %swap3A_95 : vector<1x16xf32> to vector<16xf32>
      %swap3A_97 = vector.shape_cast %broadcast_in_dim3A_92 : vector<16xf32> to vector<1x16xf32>
      tpu.vector_store %arg9[%swap3A_93, %swap3A_94], %swap3A_97 {strides = array<i32>} : memref<128x128xf32, #tpu.memory_space<vmem>>, vector<1x16xf32>,
      %broadcast_in_dim3A_98 = arith.constant 0.000000e+00 : f32
      %broadcast_in_dim3A_99 = vector.broadcast %broadcast_in_dim3A_98 : f32 to vector<16xf32>
      %swap3A_100 = arith.index_cast %scan3A_50 : i32 to index
      %swap3A_101 = arith.constant 112 : index
      %swap3A_102 = tpu.vector_load %arg9[%swap3A_100, %swap3A_101] {strides = array<i32>} : memref<128x128xf32, #tpu.memory_space<vmem>>, vector<1x16xf32>,
      %swap3A_103 = vector.shape_cast %swap3A_102 : vector<1x16xf32> to vector<16xf32>
      %swap3A_104 = vector.shape_cast %broadcast_in_dim3A_99 : vector<16xf32> to vector<1x16xf32>
      tpu.vector_store %arg9[%swap3A_100, %swap3A_101], %swap3A_104 {strides = array<i32>} : memref<128x128xf32, #tpu.memory_space<vmem>>, vector<1x16xf32>,
    }
    %scan3A_5 = arith.constant 128 : i32
    %mul3A_6 = arith.constant 640 : i32
    %mul3A_7 = arith.muli %arg1, %mul3A_6 : i32
    %add3A_8 = arith.constant 0 : i32
    %add3A_9 = arith.addi %mul3A_7, %add3A_8 : i32
    "tpu.region"() ({
      %run_scoped3A = tpu.sem_alloc : memref<!tpu.dma_semaphore, #tpu.memory_space<semaphore_mem>>
      %dma_start3A_50 = arith.constant 0 : i32
      %dma_start3A_51 = tpu.memref_slice %arg15[%add3A_9, %dma_start3A_50] : memref<10240x128xf32, #tpu.memory_space<vmem_shared>> -> memref<128x128xf32, #tpu.memory_space<vmem_shared>>
      %dma_start3A_52 = arith.constant 0 : i32
      %dma_start3A_53 = tpu.memref_slice %arg15[%add3A_9, %dma_start3A_52] : memref<10240x128xf32, #tpu.memory_space<vmem_shared>> -> memref<128x128xf32, #tpu.memory_space<vmem_shared>>
      tpu.enqueue_dma source(%arg9 : memref<128x128xf32, #tpu.memory_space<vmem>>) target(%dma_start3A_53 : memref<128x128xf32, #tpu.memory_space<vmem_shared>>) target_semaphore(%run_scoped3A : memref<!tpu.dma_semaphore, #tpu.memory_space<semaphore_mem>>)
      %dma_wait3A = arith.constant 0 : i32
      %dma_wait3A_54 = tpu.memref_slice %arg15[%add3A_9, %dma_wait3A] : memref<10240x128xf32, #tpu.memory_space<vmem_shared>> -> memref<128x128xf32, #tpu.memory_space<vmem_shared>>
      %dma_wait3A_55 = arith.constant 0 : i32
      %dma_wait3A_56 = tpu.memref_slice %arg15[%add3A_9, %dma_wait3A_55] : memref<10240x128xf32, #tpu.memory_space<vmem_shared>> -> memref<128x128xf32, #tpu.memory_space<vmem_shared>>
      tpu.wait_dma2 semaphore(%run_scoped3A : memref<!tpu.dma_semaphore, #tpu.memory_space<semaphore_mem>>) src(%arg9 : memref<128x128xf32, #tpu.memory_space<vmem>>) dst(%dma_wait3A_56 : memref<128x128xf32, #tpu.memory_space<vmem_shared>>)
      tpu.yield
    }) : () -> ()
    %mul3A_10 = arith.constant 640 : i32
    %mul3A_11 = arith.muli %arg1, %mul3A_10 : i32
    %add3A_12 = arith.constant 128 : i32
    %add3A_13 = arith.addi %mul3A_11, %add3A_12 : i32
    "tpu.region"() ({
      %run_scoped3A = tpu.sem_alloc : memref<!tpu.dma_semaphore, #tpu.memory_space<semaphore_mem>>
      %dma_start3A_50 = arith.constant 0 : i32
      %dma_start3A_51 = tpu.memref_slice %arg15[%add3A_13, %dma_start3A_50] : memref<10240x128xf32, #tpu.memory_space<vmem_shared>> -> memref<128x128xf32, #tpu.memory_space<vmem_shared>>
      %dma_start3A_52 = arith.constant 0 : i32
      %dma_start3A_53 = tpu.memref_slice %arg15[%add3A_13, %dma_start3A_52] : memref<10240x128xf32, #tpu.memory_space<vmem_shared>> -> memref<128x128xf32, #tpu.memory_space<vmem_shared>>
      tpu.enqueue_dma source(%arg9 : memref<128x128xf32, #tpu.memory_space<vmem>>) target(%dma_start3A_53 : memref<128x128xf32, #tpu.memory_space<vmem_shared>>) target_semaphore(%run_scoped3A : memref<!tpu.dma_semaphore, #tpu.memory_space<semaphore_mem>>)
      %dma_wait3A = arith.constant 0 : i32
      %dma_wait3A_54 = tpu.memref_slice %arg15[%add3A_13, %dma_wait3A] : memref<10240x128xf32, #tpu.memory_space<vmem_shared>> -> memref<128x128xf32, #tpu.memory_space<vmem_shared>>
      %dma_wait3A_55 = arith.constant 0 : i32
      %dma_wait3A_56 = tpu.memref_slice %arg15[%add3A_13, %dma_wait3A_55] : memref<10240x128xf32, #tpu.memory_space<vmem_shared>> -> memref<128x128xf32, #tpu.memory_space<vmem_shared>>
      tpu.wait_dma2 semaphore(%run_scoped3A : memref<!tpu.dma_semaphore, #tpu.memory_space<semaphore_mem>>) src(%arg9 : memref<128x128xf32, #tpu.memory_space<vmem>>) dst(%dma_wait3A_56 : memref<128x128xf32, #tpu.memory_space<vmem_shared>>)
      tpu.yield
    }) : () -> ()
    %mul3A_14 = arith.constant 640 : i32
    %mul3A_15 = arith.muli %arg1, %mul3A_14 : i32
    %add3A_16 = arith.constant 256 : i32
    %add3A_17 = arith.addi %mul3A_15, %add3A_16 : i32
    "tpu.region"() ({
      %run_scoped3A = tpu.sem_alloc : memref<!tpu.dma_semaphore, #tpu.memory_space<semaphore_mem>>
      %dma_start3A_50 = arith.constant 0 : i32
      %dma_start3A_51 = tpu.memref_slice %arg15[%add3A_17, %dma_start3A_50] : memref<10240x128xf32, #tpu.memory_space<vmem_shared>> -> memref<128x128xf32, #tpu.memory_space<vmem_shared>>
      %dma_start3A_52 = arith.constant 0 : i32
      %dma_start3A_53 = tpu.memref_slice %arg15[%add3A_17, %dma_start3A_52] : memref<10240x128xf32, #tpu.memory_space<vmem_shared>> -> memref<128x128xf32, #tpu.memory_space<vmem_shared>>
      tpu.enqueue_dma source(%arg9 : memref<128x128xf32, #tpu.memory_space<vmem>>) target(%dma_start3A_53 : memref<128x128xf32, #tpu.memory_space<vmem_shared>>) target_semaphore(%run_scoped3A : memref<!tpu.dma_semaphore, #tpu.memory_space<semaphore_mem>>)
      %dma_wait3A = arith.constant 0 : i32
      %dma_wait3A_54 = tpu.memref_slice %arg15[%add3A_17, %dma_wait3A] : memref<10240x128xf32, #tpu.memory_space<vmem_shared>> -> memref<128x128xf32, #tpu.memory_space<vmem_shared>>
      %dma_wait3A_55 = arith.constant 0 : i32
      %dma_wait3A_56 = tpu.memref_slice %arg15[%add3A_17, %dma_wait3A_55] : memref<10240x128xf32, #tpu.memory_space<vmem_shared>> -> memref<128x128xf32, #tpu.memory_space<vmem_shared>>
      tpu.wait_dma2 semaphore(%run_scoped3A : memref<!tpu.dma_semaphore, #tpu.memory_space<semaphore_mem>>) src(%arg9 : memref<128x128xf32, #tpu.memory_space<vmem>>) dst(%dma_wait3A_56 : memref<128x128xf32, #tpu.memory_space<vmem_shared>>)
      tpu.yield
    }) : () -> ()
    %mul3A_18 = arith.constant 640 : i32
    %mul3A_19 = arith.muli %arg1, %mul3A_18 : i32
    %add3A_20 = arith.constant 384 : i32
    %add3A_21 = arith.addi %mul3A_19, %add3A_20 : i32
    "tpu.region"() ({
      %run_scoped3A = tpu.sem_alloc : memref<!tpu.dma_semaphore, #tpu.memory_space<semaphore_mem>>
      %dma_start3A_50 = arith.constant 0 : i32
      %dma_start3A_51 = tpu.memref_slice %arg15[%add3A_21, %dma_start3A_50] : memref<10240x128xf32, #tpu.memory_space<vmem_shared>> -> memref<128x128xf32, #tpu.memory_space<vmem_shared>>
      %dma_start3A_52 = arith.constant 0 : i32
      %dma_start3A_53 = tpu.memref_slice %arg15[%add3A_21, %dma_start3A_52] : memref<10240x128xf32, #tpu.memory_space<vmem_shared>> -> memref<128x128xf32, #tpu.memory_space<vmem_shared>>
      tpu.enqueue_dma source(%arg9 : memref<128x128xf32, #tpu.memory_space<vmem>>) target(%dma_start3A_53 : memref<128x128xf32, #tpu.memory_space<vmem_shared>>) target_semaphore(%run_scoped3A : memref<!tpu.dma_semaphore, #tpu.memory_space<semaphore_mem>>)
      %dma_wait3A = arith.constant 0 : i32
      %dma_wait3A_54 = tpu.memref_slice %arg15[%add3A_21, %dma_wait3A] : memref<10240x128xf32, #tpu.memory_space<vmem_shared>> -> memref<128x128xf32, #tpu.memory_space<vmem_shared>>
      %dma_wait3A_55 = arith.constant 0 : i32
      %dma_wait3A_56 = tpu.memref_slice %arg15[%add3A_21, %dma_wait3A_55] : memref<10240x128xf32, #tpu.memory_space<vmem_shared>> -> memref<128x128xf32, #tpu.memory_space<vmem_shared>>
      tpu.wait_dma2 semaphore(%run_scoped3A : memref<!tpu.dma_semaphore, #tpu.memory_space<semaphore_mem>>) src(%arg9 : memref<128x128xf32, #tpu.memory_space<vmem>>) dst(%dma_wait3A_56 : memref<128x128xf32, #tpu.memory_space<vmem_shared>>)
      tpu.yield
    }) : () -> ()
    %mul3A_22 = arith.constant 640 : i32
    %mul3A_23 = arith.muli %arg1, %mul3A_22 : i32
    %add3A_24 = arith.constant 512 : i32
    %add3A_25 = arith.addi %mul3A_23, %add3A_24 : i32
    "tpu.region"() ({
      %run_scoped3A = tpu.sem_alloc : memref<!tpu.dma_semaphore, #tpu.memory_space<semaphore_mem>>
      %dma_start3A_50 = arith.constant 0 : i32
      %dma_start3A_51 = tpu.memref_slice %arg15[%add3A_25, %dma_start3A_50] : memref<10240x128xf32, #tpu.memory_space<vmem_shared>> -> memref<128x128xf32, #tpu.memory_space<vmem_shared>>
      %dma_start3A_52 = arith.constant 0 : i32
      %dma_start3A_53 = tpu.memref_slice %arg15[%add3A_25, %dma_start3A_52] : memref<10240x128xf32, #tpu.memory_space<vmem_shared>> -> memref<128x128xf32, #tpu.memory_space<vmem_shared>>
      tpu.enqueue_dma source(%arg9 : memref<128x128xf32, #tpu.memory_space<vmem>>) target(%dma_start3A_53 : memref<128x128xf32, #tpu.memory_space<vmem_shared>>) target_semaphore(%run_scoped3A : memref<!tpu.dma_semaphore, #tpu.memory_space<semaphore_mem>>)
      %dma_wait3A = arith.constant 0 : i32
      %dma_wait3A_54 = tpu.memref_slice %arg15[%add3A_25, %dma_wait3A] : memref<10240x128xf32, #tpu.memory_space<vmem_shared>> -> memref<128x128xf32, #tpu.memory_space<vmem_shared>>
      %dma_wait3A_55 = arith.constant 0 : i32
      %dma_wait3A_56 = tpu.memref_slice %arg15[%add3A_25, %dma_wait3A_55] : memref<10240x128xf32, #tpu.memory_space<vmem_shared>> -> memref<128x128xf32, #tpu.memory_space<vmem_shared>>
      tpu.wait_dma2 semaphore(%run_scoped3A : memref<!tpu.dma_semaphore, #tpu.memory_space<semaphore_mem>>) src(%arg9 : memref<128x128xf32, #tpu.memory_space<vmem>>) dst(%dma_wait3A_56 : memref<128x128xf32, #tpu.memory_space<vmem_shared>>)
      tpu.yield
    }) : () -> ()
    %barrier3A = arith.constant 0 : index
    tpu.barrier barrier_id(%barrier3A)
    %dma_start3A = arith.constant 0 : i32
    %dma_start3A_26 = arith.constant 0 : i32
    %dma_start3A_27 = tpu.memref_slice %arg4[%add3A, %dma_start3A, %dma_start3A_26] : memref<32x80x128xi32, #tpu.memory_space<hbm>> -> memref<1x1x128xi32, #tpu.memory_space<hbm>>
    %dma_start3A_28 = tpu.memref_squeeze %dma_start3A_27 : memref<1x1x128xi32, #tpu.memory_space<hbm>> -> memref<128xi32, #tpu.memory_space<hbm>>
    %dma_start3A_29 = arith.constant 0 : i32
    %dma_start3A_30 = tpu.memref_slice %arg4[%add3A, %dma_start3A, %dma_start3A_29] : memref<32x80x128xi32, #tpu.memory_space<hbm>> -> memref<1x1x128xi32, #tpu.memory_space<hbm>>
    %dma_start3A_31 = tpu.memref_squeeze %dma_start3A_30 : memref<1x1x128xi32, #tpu.memory_space<hbm>> -> memref<128xi32, #tpu.memory_space<hbm>>
    tpu.enqueue_dma source(%dma_start3A_31 : memref<128xi32, #tpu.memory_space<hbm>>) target(%arg7 : memref<128xi32, #tpu.memory_space<vmem>>) target_semaphore(%arg13 : memref<!tpu.dma_semaphore, #tpu.memory_space<semaphore_mem>>)
    %dma_start3A_32 = arith.constant 0 : i32
    %dma_start3A_33 = arith.constant 0 : i32
    %dma_start3A_34 = tpu.memref_slice %arg6[%dma_start3A_32, %dma_start3A_33] : memref<80x128xi32, #tpu.memory_space<vmem>> -> memref<1x128xi32, #tpu.memory_space<vmem>>
    %dma_start3A_35 = tpu.memref_squeeze %dma_start3A_34 : memref<1x128xi32, #tpu.memory_space<vmem>> -> memref<128xi32, #tpu.memory_space<vmem>>
    %dma_start3A_36 = arith.constant 0 : i32
    %dma_start3A_37 = arith.constant 0 : i32
    %dma_start3A_38 = tpu.memref_slice %arg2[%dma_start3A_36, %dma_start3A_37] : memref<10000x128xf32, #tpu.memory_space<hbm>> -> memref<10000x128xf32, #tpu.memory_space<hbm>>
    tpu.enqueue_indirect_dma source(%dma_start3A_38 : memref<10000x128xf32, #tpu.memory_space<hbm>>) target(%arg9 : memref<128x128xf32, #tpu.memory_space<vmem>>) offsets(%dma_start3A_35 : memref<128xi32, #tpu.memory_space<vmem>>) semaphore(%arg11 : memref<!tpu.dma_semaphore, #tpu.memory_space<semaphore_mem>>)
    %scan3A_39 = arith.constant 0 : i32
    %scan3A_40 = arith.constant 0 : i32
    %scan3A_41 = arith.constant 40 : i32
    %scan3A_42 = arith.addi %scan3A_40, %scan3A_41 : i32
    %scan3A_43 = arith.constant 1 : i32
    scf.for %scan3A_50 = %scan3A_40 to %scan3A_42 step %scan3A_43  : i32 {
      %mul3A_51 = arith.constant 2 : i32
      %mul3A_52 = arith.muli %mul3A_51, %scan3A_50 : i32
      %add3A_53 = arith.constant 1 : i32
      %add3A_54 = arith.addi %mul3A_52, %add3A_53 : i32
      %jit3A = arith.constant 1 : i32
      %div3A = arith.divsi %add3A_54, %jit3A : i32
      %sign3A = arith.constant 0 : i32
      %sign3A_55 = arith.cmpi sgt, %add3A_54, %sign3A : i32
      %sign3A_56 = arith.extui %sign3A_55 : i1 to i32
      %sign3A_57 = arith.constant 0 : i32
      %sign3A_58 = arith.cmpi slt, %add3A_54, %sign3A_57 : i32
      %sign3A_59 = arith.extui %sign3A_58 : i1 to i32
      %sign3A_60 = arith.subi %sign3A_56, %sign3A_59 : i32
      %sign3A_61 = arith.constant 0 : i32
      %sign3A_62 = arith.cmpi sgt, %jit3A, %sign3A_61 : i32
      %sign3A_63 = arith.extui %sign3A_62 : i1 to i32
      %sign3A_64 = arith.constant 0 : i32
      %sign3A_65 = arith.cmpi slt, %jit3A, %sign3A_64 : i32
      %sign3A_66 = arith.extui %sign3A_65 : i1 to i32
      %sign3A_67 = arith.subi %sign3A_63, %sign3A_66 : i32
      %ne3A = arith.cmpi ne, %sign3A_60, %sign3A_67 : i32
      %rem3A = arith.remsi %add3A_54, %jit3A : i32
      %ne3A_68 = arith.constant 0 : i32
      %ne3A_69 = arith.cmpi ne, %rem3A, %ne3A_68 : i32
      %and3A = arith.andi %ne3A, %ne3A_69 : i1
      %sub3A = arith.constant 1 : i32
      %sub3A_70 = arith.subi %div3A, %sub3A : i32
      %select_n3A = arith.select %and3A, %sub3A_70, %div3A : i32
      %jit3A_71 = arith.constant 1 : i32
      %eq3A = arith.constant 0 : i32
      %eq3A_72 = arith.cmpi eq, %jit3A_71, %eq3A : i32
      %jit3A_73 = arith.constant 1 : i32
      %select_n3A_74 = arith.select %eq3A_72, %jit3A_73, %jit3A_71 : i32
      %rem3A_75 = arith.remsi %add3A_54, %select_n3A_74 : i32
      %ne3A_76 = arith.constant 0 : i32
      %ne3A_77 = arith.cmpi ne, %rem3A_75, %ne3A_76 : i32
      %lt3A = arith.constant 0 : i32
      %lt3A_78 = arith.cmpi slt, %rem3A_75, %lt3A : i32
      %lt3A_79 = arith.constant 0 : i32
      %lt3A_80 = arith.cmpi slt, %select_n3A_74, %lt3A_79 : i32
      %ne3A_81 = arith.xori %lt3A_78, %lt3A_80 : i1
      %and3A_82 = arith.andi %ne3A_81, %ne3A_77 : i1
      %add3A_83 = arith.addi %rem3A_75, %select_n3A_74 : i32
      %select_n3A_84 = arith.select %and3A_82, %add3A_83, %rem3A_75 : i32
      %mul3A_85 = arith.constant 128 : i32
      %mul3A_86 = arith.muli %select_n3A_84, %mul3A_85 : i32
      %dma_start3A_87 = tpu.memref_slice %arg6[%select_n3A, %mul3A_86] : memref<80x128xi32, #tpu.memory_space<vmem>> -> memref<1x128xi32, #tpu.memory_space<vmem>>
      %dma_start3A_88 = tpu.memref_squeeze %dma_start3A_87 : memref<1x128xi32, #tpu.memory_space<vmem>> -> memref<128xi32, #tpu.memory_space<vmem>>
      %dma_start3A_89 = arith.constant 0 : i32
      %dma_start3A_90 = arith.constant 0 : i32
      %dma_start3A_91 = tpu.memref_slice %arg2[%dma_start3A_89, %dma_start3A_90] : memref<10000x128xf32, #tpu.memory_space<hbm>> -> memref<10000x128xf32, #tpu.memory_space<hbm>>
      tpu.enqueue_indirect_dma source(%dma_start3A_91 : memref<10000x128xf32, #tpu.memory_space<hbm>>) target(%arg10 : memref<128x128xf32, #tpu.memory_space<vmem>>) offsets(%dma_start3A_88 : memref<128xi32, #tpu.memory_space<vmem>>) semaphore(%arg12 : memref<!tpu.dma_semaphore, #tpu.memory_space<semaphore_mem>>)
      %add3A_92 = arith.constant 1 : i32
      %add3A_93 = arith.addi %mul3A_52, %add3A_92 : i32
      %jit3A_94 = arith.constant 1 : i32
      %div3A_95 = arith.divsi %add3A_93, %jit3A_94 : i32
      %sign3A_96 = arith.constant 0 : i32
      %sign3A_97 = arith.cmpi sgt, %add3A_93, %sign3A_96 : i32
      %sign3A_98 = arith.extui %sign3A_97 : i1 to i32
      %sign3A_99 = arith.constant 0 : i32
      %sign3A_100 = arith.cmpi slt, %add3A_93, %sign3A_99 : i32
      %sign3A_101 = arith.extui %sign3A_100 : i1 to i32
      %sign3A_102 = arith.subi %sign3A_98, %sign3A_101 : i32
      %sign3A_103 = arith.constant 0 : i32
      %sign3A_104 = arith.cmpi sgt, %jit3A_94, %sign3A_103 : i32
      %sign3A_105 = arith.extui %sign3A_104 : i1 to i32
      %sign3A_106 = arith.constant 0 : i32
      %sign3A_107 = arith.cmpi slt, %jit3A_94, %sign3A_106 : i32
      %sign3A_108 = arith.extui %sign3A_107 : i1 to i32
      %sign3A_109 = arith.subi %sign3A_105, %sign3A_108 : i32
      %ne3A_110 = arith.cmpi ne, %sign3A_102, %sign3A_109 : i32
      %rem3A_111 = arith.remsi %add3A_93, %jit3A_94 : i32
      %ne3A_112 = arith.constant 0 : i32
      %ne3A_113 = arith.cmpi ne, %rem3A_111, %ne3A_112 : i32
      %and3A_114 = arith.andi %ne3A_110, %ne3A_113 : i1
      %sub3A_115 = arith.constant 1 : i32
      %sub3A_116 = arith.subi %div3A_95, %sub3A_115 : i32
      %select_n3A_117 = arith.select %and3A_114, %sub3A_116, %div3A_95 : i32
      %jit3A_118 = arith.constant 1 : i32
      %eq3A_119 = arith.constant 0 : i32
      %eq3A_120 = arith.cmpi eq, %jit3A_118, %eq3A_119 : i32
      %jit3A_121 = arith.constant 1 : i32
      %select_n3A_122 = arith.select %eq3A_120, %jit3A_121, %jit3A_118 : i32
      %rem3A_123 = arith.remsi %add3A_93, %select_n3A_122 : i32
      %ne3A_124 = arith.constant 0 : i32
      %ne3A_125 = arith.cmpi ne, %rem3A_123, %ne3A_124 : i32
      %lt3A_126 = arith.constant 0 : i32
      %lt3A_127 = arith.cmpi slt, %rem3A_123, %lt3A_126 : i32
      %lt3A_128 = arith.constant 0 : i32
      %lt3A_129 = arith.cmpi slt, %select_n3A_122, %lt3A_128 : i32
      %ne3A_130 = arith.xori %lt3A_127, %lt3A_129 : i1
      %and3A_131 = arith.andi %ne3A_130, %ne3A_125 : i1
      %add3A_132 = arith.addi %rem3A_123, %select_n3A_122 : i32
      %select_n3A_133 = arith.select %and3A_131, %add3A_132, %rem3A_123 : i32
      %mul3A_134 = arith.constant 128 : i32
      %mul3A_135 = arith.muli %select_n3A_133, %mul3A_134 : i32
      %dma_start3A_136 = tpu.memref_slice %arg4[%add3A, %select_n3A_117, %mul3A_135] : memref<32x80x128xi32, #tpu.memory_space<hbm>> -> memref<1x1x128xi32, #tpu.memory_space<hbm>>
      %dma_start3A_137 = tpu.memref_squeeze %dma_start3A_136 : memref<1x1x128xi32, #tpu.memory_space<hbm>> -> memref<128xi32, #tpu.memory_space<hbm>>
      %dma_start3A_138 = tpu.memref_slice %arg4[%add3A, %select_n3A_117, %mul3A_135] : memref<32x80x128xi32, #tpu.memory_space<hbm>> -> memref<1x1x128xi32, #tpu.memory_space<hbm>>
      %dma_start3A_139 = tpu.memref_squeeze %dma_start3A_138 : memref<1x1x128xi32, #tpu.memory_space<hbm>> -> memref<128xi32, #tpu.memory_space<hbm>>
      tpu.enqueue_dma source(%dma_start3A_139 : memref<128xi32, #tpu.memory_space<hbm>>) target(%arg8 : memref<128xi32, #tpu.memory_space<vmem>>) target_semaphore(%arg14 : memref<!tpu.dma_semaphore, #tpu.memory_space<semaphore_mem>>)
      %jit3A_140 = arith.constant 1 : i32
      %div3A_141 = arith.divsi %mul3A_52, %jit3A_140 : i32
      %sign3A_142 = arith.constant 0 : i32
      %sign3A_143 = arith.cmpi sgt, %mul3A_52, %sign3A_142 : i32
      %sign3A_144 = arith.extui %sign3A_143 : i1 to i32
      %sign3A_145 = arith.constant 0 : i32
      %sign3A_146 = arith.cmpi slt, %mul3A_52, %sign3A_145 : i32
      %sign3A_147 = arith.extui %sign3A_146 : i1 to i32
      %sign3A_148 = arith.subi %sign3A_144, %sign3A_147 : i32
      %sign3A_149 = arith.constant 0 : i32
      %sign3A_150 = arith.cmpi sgt, %jit3A_140, %sign3A_149 : i32
      %sign3A_151 = arith.extui %sign3A_150 : i1 to i32
      %sign3A_152 = arith.constant 0 : i32
      %sign3A_153 = arith.cmpi slt, %jit3A_140, %sign3A_152 : i32
      %sign3A_154 = arith.extui %sign3A_153 : i1 to i32
      %sign3A_155 = arith.subi %sign3A_151, %sign3A_154 : i32
      %ne3A_156 = arith.cmpi ne, %sign3A_148, %sign3A_155 : i32
      %rem3A_157 = arith.remsi %mul3A_52, %jit3A_140 : i32
      %ne3A_158 = arith.constant 0 : i32
      %ne3A_159 = arith.cmpi ne, %rem3A_157, %ne3A_158 : i32
      %and3A_160 = arith.andi %ne3A_156, %ne3A_159 : i1
      %sub3A_161 = arith.constant 1 : i32
      %sub3A_162 = arith.subi %div3A_141, %sub3A_161 : i32
      %select_n3A_163 = arith.select %and3A_160, %sub3A_162, %div3A_141 : i32
      %jit3A_164 = arith.constant 1 : i32
      %eq3A_165 = arith.constant 0 : i32
      %eq3A_166 = arith.cmpi eq, %jit3A_164, %eq3A_165 : i32
      %jit3A_167 = arith.constant 1 : i32
      %select_n3A_168 = arith.select %eq3A_166, %jit3A_167, %jit3A_164 : i32
      %rem3A_169 = arith.remsi %mul3A_52, %select_n3A_168 : i32
      %ne3A_170 = arith.constant 0 : i32
      %ne3A_171 = arith.cmpi ne, %rem3A_169, %ne3A_170 : i32
      %lt3A_172 = arith.constant 0 : i32
      %lt3A_173 = arith.cmpi slt, %rem3A_169, %lt3A_172 : i32
      %lt3A_174 = arith.constant 0 : i32
      %lt3A_175 = arith.cmpi slt, %select_n3A_168, %lt3A_174 : i32
      %ne3A_176 = arith.xori %lt3A_173, %lt3A_175 : i1
      %and3A_177 = arith.andi %ne3A_176, %ne3A_171 : i1
      %add3A_178 = arith.addi %rem3A_169, %select_n3A_168 : i32
      %select_n3A_179 = arith.select %and3A_177, %add3A_178, %rem3A_169 : i32
      %mul3A_180 = arith.constant 128 : i32
      %mul3A_181 = arith.muli %select_n3A_179, %mul3A_180 : i32
      %dma_wait3A = tpu.memref_slice %arg6[%select_n3A_163, %mul3A_181] : memref<80x128xi32, #tpu.memory_space<vmem>> -> memref<1x128xi32, #tpu.memory_space<vmem>>
      %dma_wait3A_182 = tpu.memref_squeeze %dma_wait3A : memref<1x128xi32, #tpu.memory_space<vmem>> -> memref<128xi32, #tpu.memory_space<vmem>>
      %dma_wait3A_183 = arith.constant 0 : i32
      %dma_wait3A_184 = arith.constant 0 : i32
      %dma_wait3A_185 = tpu.memref_slice %arg2[%dma_wait3A_183, %dma_wait3A_184] : memref<10000x128xf32, #tpu.memory_space<hbm>> -> memref<10000x128xf32, #tpu.memory_space<hbm>>
      tpu.wait_indirect_dma semaphore(%arg11 : memref<!tpu.dma_semaphore, #tpu.memory_space<semaphore_mem>>) src(%dma_wait3A_185 : memref<10000x128xf32, #tpu.memory_space<hbm>>) dst(%arg9 : memref<128x128xf32, #tpu.memory_space<vmem>>)
      %jit3A_186 = arith.constant 1 : i32
      %div3A_187 = arith.divsi %mul3A_52, %jit3A_186 : i32
      %sign3A_188 = arith.constant 0 : i32
      %sign3A_189 = arith.cmpi sgt, %mul3A_52, %sign3A_188 : i32
      %sign3A_190 = arith.extui %sign3A_189 : i1 to i32
      %sign3A_191 = arith.constant 0 : i32
      %sign3A_192 = arith.cmpi slt, %mul3A_52, %sign3A_191 : i32
      %sign3A_193 = arith.extui %sign3A_192 : i1 to i32
      %sign3A_194 = arith.subi %sign3A_190, %sign3A_193 : i32
      %sign3A_195 = arith.constant 0 : i32
      %sign3A_196 = arith.cmpi sgt, %jit3A_186, %sign3A_195 : i32
      %sign3A_197 = arith.extui %sign3A_196 : i1 to i32
      %sign3A_198 = arith.constant 0 : i32
      %sign3A_199 = arith.cmpi slt, %jit3A_186, %sign3A_198 : i32
      %sign3A_200 = arith.extui %sign3A_199 : i1 to i32
      %sign3A_201 = arith.subi %sign3A_197, %sign3A_200 : i32
      %ne3A_202 = arith.cmpi ne, %sign3A_194, %sign3A_201 : i32
      %rem3A_203 = arith.remsi %mul3A_52, %jit3A_186 : i32
      %ne3A_204 = arith.constant 0 : i32
      %ne3A_205 = arith.cmpi ne, %rem3A_203, %ne3A_204 : i32
      %and3A_206 = arith.andi %ne3A_202, %ne3A_205 : i1
      %sub3A_207 = arith.constant 1 : i32
      %sub3A_208 = arith.subi %div3A_187, %sub3A_207 : i32
      %select_n3A_209 = arith.select %and3A_206, %sub3A_208, %div3A_187 : i32
      %jit3A_210 = arith.constant 1 : i32
      %eq3A_211 = arith.constant 0 : i32
      %eq3A_212 = arith.cmpi eq, %jit3A_210, %eq3A_211 : i32
      %jit3A_213 = arith.constant 1 : i32
      %select_n3A_214 = arith.select %eq3A_212, %jit3A_213, %jit3A_210 : i32
      %rem3A_215 = arith.remsi %mul3A_52, %select_n3A_214 : i32
      %ne3A_216 = arith.constant 0 : i32
      %ne3A_217 = arith.cmpi ne, %rem3A_215, %ne3A_216 : i32
      %lt3A_218 = arith.constant 0 : i32
      %lt3A_219 = arith.cmpi slt, %rem3A_215, %lt3A_218 : i32
      %lt3A_220 = arith.constant 0 : i32
      %lt3A_221 = arith.cmpi slt, %select_n3A_214, %lt3A_220 : i32
      %ne3A_222 = arith.xori %lt3A_219, %lt3A_221 : i1
      %and3A_223 = arith.andi %ne3A_222, %ne3A_217 : i1
      %add3A_224 = arith.addi %rem3A_215, %select_n3A_214 : i32
      %select_n3A_225 = arith.select %and3A_223, %add3A_224, %rem3A_215 : i32
      %mul3A_226 = arith.constant 128 : i32
      %mul3A_227 = arith.muli %select_n3A_225, %mul3A_226 : i32
      %dma_wait3A_228 = tpu.memref_slice %arg4[%add3A, %select_n3A_209, %mul3A_227] : memref<32x80x128xi32, #tpu.memory_space<hbm>> -> memref<1x1x128xi32, #tpu.memory_space<hbm>>
      %dma_wait3A_229 = tpu.memref_squeeze %dma_wait3A_228 : memref<1x1x128xi32, #tpu.memory_space<hbm>> -> memref<128xi32, #tpu.memory_space<hbm>>
      %dma_wait3A_230 = tpu.memref_slice %arg4[%add3A, %select_n3A_209, %mul3A_227] : memref<32x80x128xi32, #tpu.memory_space<hbm>> -> memref<1x1x128xi32, #tpu.memory_space<hbm>>
      %dma_wait3A_231 = tpu.memref_squeeze %dma_wait3A_230 : memref<1x1x128xi32, #tpu.memory_space<hbm>> -> memref<128xi32, #tpu.memory_space<hbm>>
      tpu.wait_dma2 semaphore(%arg13 : memref<!tpu.dma_semaphore, #tpu.memory_space<semaphore_mem>>) src(%dma_wait3A_231 : memref<128xi32, #tpu.memory_space<hbm>>) dst(%arg7 : memref<128xi32, #tpu.memory_space<vmem>>)
      "tpu.region"() ({
        %run_scoped3A = tpu.sem_alloc : memref<!tpu.dma_semaphore, #tpu.memory_space<semaphore_mem>>
        %dma_start3A_334 = arith.constant 0 : i32
        %dma_start3A_335 = arith.constant 0 : i32
        %dma_start3A_336 = tpu.memref_slice %arg15[%dma_start3A_334, %dma_start3A_335] : memref<10240x128xf32, #tpu.memory_space<vmem_shared>> -> memref<10240x128xf32, #tpu.memory_space<vmem_shared>>
        tpu.enqueue_indirect_dma source(%arg9 : memref<128x128xf32, #tpu.memory_space<vmem>>) target(%dma_start3A_336 : memref<10240x128xf32, #tpu.memory_space<vmem_shared>>) offsets(%arg7 : memref<128xi32, #tpu.memory_space<vmem>>) semaphore(%run_scoped3A : memref<!tpu.dma_semaphore, #tpu.memory_space<semaphore_mem>>) {add = true}
        %dma_wait3A_337 = arith.constant 0 : i32
        %dma_wait3A_338 = arith.constant 0 : i32
        %dma_wait3A_339 = tpu.memref_slice %arg15[%dma_wait3A_337, %dma_wait3A_338] : memref<10240x128xf32, #tpu.memory_space<vmem_shared>> -> memref<10240x128xf32, #tpu.memory_space<vmem_shared>>
        tpu.wait_indirect_dma semaphore(%run_scoped3A : memref<!tpu.dma_semaphore, #tpu.memory_space<semaphore_mem>>) src(%arg9 : memref<128x128xf32, #tpu.memory_space<vmem>>) dst(%dma_wait3A_339 : memref<10240x128xf32, #tpu.memory_space<vmem_shared>>)
        tpu.yield
      }) : () -> ()
      %add3A_232 = arith.constant 2 : i32
      %add3A_233 = arith.addi %mul3A_52, %add3A_232 : i32
      %lt3A_234 = arith.constant 80 : i32
      %lt3A_235 = arith.cmpi slt, %add3A_233, %lt3A_234 : i32
      %convert_element_type3A = arith.extui %lt3A_235 : i1 to i32
      %cond3A = arith.constant 0 : i32
      %cond3A_236 = arith.cmpi ne, %convert_element_type3A, %cond3A : i32
      scf.if %cond3A_236 {
        %add3A_334 = arith.constant 2 : i32
        %add3A_335 = arith.addi %mul3A_52, %add3A_334 : i32
        %jit3A_336 = arith.constant 1 : i32
        %div3A_337 = arith.divsi %add3A_335, %jit3A_336 : i32
        %sign3A_338 = arith.constant 0 : i32
        %sign3A_339 = arith.cmpi sgt, %add3A_335, %sign3A_338 : i32
        %sign3A_340 = arith.extui %sign3A_339 : i1 to i32
        %sign3A_341 = arith.constant 0 : i32
        %sign3A_342 = arith.cmpi slt, %add3A_335, %sign3A_341 : i32
        %sign3A_343 = arith.extui %sign3A_342 : i1 to i32
        %sign3A_344 = arith.subi %sign3A_340, %sign3A_343 : i32
        %sign3A_345 = arith.constant 0 : i32
        %sign3A_346 = arith.cmpi sgt, %jit3A_336, %sign3A_345 : i32
        %sign3A_347 = arith.extui %sign3A_346 : i1 to i32
        %sign3A_348 = arith.constant 0 : i32
        %sign3A_349 = arith.cmpi slt, %jit3A_336, %sign3A_348 : i32
        %sign3A_350 = arith.extui %sign3A_349 : i1 to i32
        %sign3A_351 = arith.subi %sign3A_347, %sign3A_350 : i32
        %ne3A_352 = arith.cmpi ne, %sign3A_344, %sign3A_351 : i32
        %rem3A_353 = arith.remsi %add3A_335, %jit3A_336 : i32
        %ne3A_354 = arith.constant 0 : i32
        %ne3A_355 = arith.cmpi ne, %rem3A_353, %ne3A_354 : i32
        %and3A_356 = arith.andi %ne3A_352, %ne3A_355 : i1
        %sub3A_357 = arith.constant 1 : i32
        %sub3A_358 = arith.subi %div3A_337, %sub3A_357 : i32
        %select_n3A_359 = arith.select %and3A_356, %sub3A_358, %div3A_337 : i32
        %jit3A_360 = arith.constant 1 : i32
        %eq3A_361 = arith.constant 0 : i32
        %eq3A_362 = arith.cmpi eq, %jit3A_360, %eq3A_361 : i32
        %jit3A_363 = arith.constant 1 : i32
        %select_n3A_364 = arith.select %eq3A_362, %jit3A_363, %jit3A_360 : i32
        %rem3A_365 = arith.remsi %add3A_335, %select_n3A_364 : i32
        %ne3A_366 = arith.constant 0 : i32
        %ne3A_367 = arith.cmpi ne, %rem3A_365, %ne3A_366 : i32
        %lt3A_368 = arith.constant 0 : i32
        %lt3A_369 = arith.cmpi slt, %rem3A_365, %lt3A_368 : i32
        %lt3A_370 = arith.constant 0 : i32
        %lt3A_371 = arith.cmpi slt, %select_n3A_364, %lt3A_370 : i32
        %ne3A_372 = arith.xori %lt3A_369, %lt3A_371 : i1
        %and3A_373 = arith.andi %ne3A_372, %ne3A_367 : i1
        %add3A_374 = arith.addi %rem3A_365, %select_n3A_364 : i32
        %select_n3A_375 = arith.select %and3A_373, %add3A_374, %rem3A_365 : i32
        %mul3A_376 = arith.constant 128 : i32
        %mul3A_377 = arith.muli %select_n3A_375, %mul3A_376 : i32
        %dma_start3A_378 = tpu.memref_slice %arg4[%add3A, %select_n3A_359, %mul3A_377] : memref<32x80x128xi32, #tpu.memory_space<hbm>> -> memref<1x1x128xi32, #tpu.memory_space<hbm>>
        %dma_start3A_379 = tpu.memref_squeeze %dma_start3A_378 : memref<1x1x128xi32, #tpu.memory_space<hbm>> -> memref<128xi32, #tpu.memory_space<hbm>>
        %dma_start3A_380 = tpu.memref_slice %arg4[%add3A, %select_n3A_359, %mul3A_377] : memref<32x80x128xi32, #tpu.memory_space<hbm>> -> memref<1x1x128xi32, #tpu.memory_space<hbm>>
        %dma_start3A_381 = tpu.memref_squeeze %dma_start3A_380 : memref<1x1x128xi32, #tpu.memory_space<hbm>> -> memref<128xi32, #tpu.memory_space<hbm>>
        tpu.enqueue_dma source(%dma_start3A_381 : memref<128xi32, #tpu.memory_space<hbm>>) target(%arg7 : memref<128xi32, #tpu.memory_space<vmem>>) target_semaphore(%arg13 : memref<!tpu.dma_semaphore, #tpu.memory_space<semaphore_mem>>)
        %add3A_382 = arith.constant 2 : i32
        %add3A_383 = arith.addi %mul3A_52, %add3A_382 : i32
        %jit3A_384 = arith.constant 1 : i32
        %div3A_385 = arith.divsi %add3A_383, %jit3A_384 : i32
        %sign3A_386 = arith.constant 0 : i32
        %sign3A_387 = arith.cmpi sgt, %add3A_383, %sign3A_386 : i32
        %sign3A_388 = arith.extui %sign3A_387 : i1 to i32
        %sign3A_389 = arith.constant 0 : i32
        %sign3A_390 = arith.cmpi slt, %add3A_383, %sign3A_389 : i32
        %sign3A_391 = arith.extui %sign3A_390 : i1 to i32
        %sign3A_392 = arith.subi %sign3A_388, %sign3A_391 : i32
        %sign3A_393 = arith.constant 0 : i32
        %sign3A_394 = arith.cmpi sgt, %jit3A_384, %sign3A_393 : i32
        %sign3A_395 = arith.extui %sign3A_394 : i1 to i32
        %sign3A_396 = arith.constant 0 : i32
        %sign3A_397 = arith.cmpi slt, %jit3A_384, %sign3A_396 : i32
        %sign3A_398 = arith.extui %sign3A_397 : i1 to i32
        %sign3A_399 = arith.subi %sign3A_395, %sign3A_398 : i32
        %ne3A_400 = arith.cmpi ne, %sign3A_392, %sign3A_399 : i32
        %rem3A_401 = arith.remsi %add3A_383, %jit3A_384 : i32
        %ne3A_402 = arith.constant 0 : i32
        %ne3A_403 = arith.cmpi ne, %rem3A_401, %ne3A_402 : i32
        %and3A_404 = arith.andi %ne3A_400, %ne3A_403 : i1
        %sub3A_405 = arith.constant 1 : i32
        %sub3A_406 = arith.subi %div3A_385, %sub3A_405 : i32
        %select_n3A_407 = arith.select %and3A_404, %sub3A_406, %div3A_385 : i32
        %jit3A_408 = arith.constant 1 : i32
        %eq3A_409 = arith.constant 0 : i32
        %eq3A_410 = arith.cmpi eq, %jit3A_408, %eq3A_409 : i32
        %jit3A_411 = arith.constant 1 : i32
        %select_n3A_412 = arith.select %eq3A_410, %jit3A_411, %jit3A_408 : i32
        %rem3A_413 = arith.remsi %add3A_383, %select_n3A_412 : i32
        %ne3A_414 = arith.constant 0 : i32
        %ne3A_415 = arith.cmpi ne, %rem3A_413, %ne3A_414 : i32
        %lt3A_416 = arith.constant 0 : i32
        %lt3A_417 = arith.cmpi slt, %rem3A_413, %lt3A_416 : i32
        %lt3A_418 = arith.constant 0 : i32
        %lt3A_419 = arith.cmpi slt, %select_n3A_412, %lt3A_418 : i32
        %ne3A_420 = arith.xori %lt3A_417, %lt3A_419 : i1
        %and3A_421 = arith.andi %ne3A_420, %ne3A_415 : i1
        %add3A_422 = arith.addi %rem3A_413, %select_n3A_412 : i32
        %select_n3A_423 = arith.select %and3A_421, %add3A_422, %rem3A_413 : i32
        %mul3A_424 = arith.constant 128 : i32
        %mul3A_425 = arith.muli %select_n3A_423, %mul3A_424 : i32
        %dma_start3A_426 = tpu.memref_slice %arg6[%select_n3A_407, %mul3A_425] : memref<80x128xi32, #tpu.memory_space<vmem>> -> memref<1x128xi32, #tpu.memory_space<vmem>>
        %dma_start3A_427 = tpu.memref_squeeze %dma_start3A_426 : memref<1x128xi32, #tpu.memory_space<vmem>> -> memref<128xi32, #tpu.memory_space<vmem>>
        %dma_start3A_428 = arith.constant 0 : i32
        %dma_start3A_429 = arith.constant 0 : i32
        %dma_start3A_430 = tpu.memref_slice %arg2[%dma_start3A_428, %dma_start3A_429] : memref<10000x128xf32, #tpu.memory_space<hbm>> -> memref<10000x128xf32, #tpu.memory_space<hbm>>
        tpu.enqueue_indirect_dma source(%dma_start3A_430 : memref<10000x128xf32, #tpu.memory_space<hbm>>) target(%arg9 : memref<128x128xf32, #tpu.memory_space<vmem>>) offsets(%dma_start3A_427 : memref<128xi32, #tpu.memory_space<vmem>>) semaphore(%arg11 : memref<!tpu.dma_semaphore, #tpu.memory_space<semaphore_mem>>)
      } else {
      }
      %add3A_237 = arith.constant 1 : i32
      %add3A_238 = arith.addi %mul3A_52, %add3A_237 : i32
      %jit3A_239 = arith.constant 1 : i32
      %div3A_240 = arith.divsi %add3A_238, %jit3A_239 : i32
      %sign3A_241 = arith.constant 0 : i32
      %sign3A_242 = arith.cmpi sgt, %add3A_238, %sign3A_241 : i32
      %sign3A_243 = arith.extui %sign3A_242 : i1 to i32
      %sign3A_244 = arith.constant 0 : i32
      %sign3A_245 = arith.cmpi slt, %add3A_238, %sign3A_244 : i32
      %sign3A_246 = arith.extui %sign3A_245 : i1 to i32
      %sign3A_247 = arith.subi %sign3A_243, %sign3A_246 : i32
      %sign3A_248 = arith.constant 0 : i32
      %sign3A_249 = arith.cmpi sgt, %jit3A_239, %sign3A_248 : i32
      %sign3A_250 = arith.extui %sign3A_249 : i1 to i32
      %sign3A_251 = arith.constant 0 : i32
      %sign3A_252 = arith.cmpi slt, %jit3A_239, %sign3A_251 : i32
      %sign3A_253 = arith.extui %sign3A_252 : i1 to i32
      %sign3A_254 = arith.subi %sign3A_250, %sign3A_253 : i32
      %ne3A_255 = arith.cmpi ne, %sign3A_247, %sign3A_254 : i32
      %rem3A_256 = arith.remsi %add3A_238, %jit3A_239 : i32
      %ne3A_257 = arith.constant 0 : i32
      %ne3A_258 = arith.cmpi ne, %rem3A_256, %ne3A_257 : i32
      %and3A_259 = arith.andi %ne3A_255, %ne3A_258 : i1
      %sub3A_260 = arith.constant 1 : i32
      %sub3A_261 = arith.subi %div3A_240, %sub3A_260 : i32
      %select_n3A_262 = arith.select %and3A_259, %sub3A_261, %div3A_240 : i32
      %jit3A_263 = arith.constant 1 : i32
      %eq3A_264 = arith.constant 0 : i32
      %eq3A_265 = arith.cmpi eq, %jit3A_263, %eq3A_264 : i32
      %jit3A_266 = arith.constant 1 : i32
      %select_n3A_267 = arith.select %eq3A_265, %jit3A_266, %jit3A_263 : i32
      %rem3A_268 = arith.remsi %add3A_238, %select_n3A_267 : i32
      %ne3A_269 = arith.constant 0 : i32
      %ne3A_270 = arith.cmpi ne, %rem3A_268, %ne3A_269 : i32
      %lt3A_271 = arith.constant 0 : i32
      %lt3A_272 = arith.cmpi slt, %rem3A_268, %lt3A_271 : i32
      %lt3A_273 = arith.constant 0 : i32
      %lt3A_274 = arith.cmpi slt, %select_n3A_267, %lt3A_273 : i32
      %ne3A_275 = arith.xori %lt3A_272, %lt3A_274 : i1
      %and3A_276 = arith.andi %ne3A_275, %ne3A_270 : i1
      %add3A_277 = arith.addi %rem3A_268, %select_n3A_267 : i32
      %select_n3A_278 = arith.select %and3A_276, %add3A_277, %rem3A_268 : i32
      %mul3A_279 = arith.constant 128 : i32
      %mul3A_280 = arith.muli %select_n3A_278, %mul3A_279 : i32
      %dma_wait3A_281 = tpu.memref_slice %arg6[%select_n3A_262, %mul3A_280] : memref<80x128xi32, #tpu.memory_space<vmem>> -> memref<1x128xi32, #tpu.memory_space<vmem>>
      %dma_wait3A_282 = tpu.memref_squeeze %dma_wait3A_281 : memref<1x128xi32, #tpu.memory_space<vmem>> -> memref<128xi32, #tpu.memory_space<vmem>>
      %dma_wait3A_283 = arith.constant 0 : i32
      %dma_wait3A_284 = arith.constant 0 : i32
      %dma_wait3A_285 = tpu.memref_slice %arg2[%dma_wait3A_283, %dma_wait3A_284] : memref<10000x128xf32, #tpu.memory_space<hbm>> -> memref<10000x128xf32, #tpu.memory_space<hbm>>
      tpu.wait_indirect_dma semaphore(%arg12 : memref<!tpu.dma_semaphore, #tpu.memory_space<semaphore_mem>>) src(%dma_wait3A_285 : memref<10000x128xf32, #tpu.memory_space<hbm>>) dst(%arg10 : memref<128x128xf32, #tpu.memory_space<vmem>>)
      %add3A_286 = arith.constant 1 : i32
      %add3A_287 = arith.addi %mul3A_52, %add3A_286 : i32
      %jit3A_288 = arith.constant 1 : i32
      %div3A_289 = arith.divsi %add3A_287, %jit3A_288 : i32
      %sign3A_290 = arith.constant 0 : i32
      %sign3A_291 = arith.cmpi sgt, %add3A_287, %sign3A_290 : i32
      %sign3A_292 = arith.extui %sign3A_291 : i1 to i32
      %sign3A_293 = arith.constant 0 : i32
      %sign3A_294 = arith.cmpi slt, %add3A_287, %sign3A_293 : i32
      %sign3A_295 = arith.extui %sign3A_294 : i1 to i32
      %sign3A_296 = arith.subi %sign3A_292, %sign3A_295 : i32
      %sign3A_297 = arith.constant 0 : i32
      %sign3A_298 = arith.cmpi sgt, %jit3A_288, %sign3A_297 : i32
      %sign3A_299 = arith.extui %sign3A_298 : i1 to i32
      %sign3A_300 = arith.constant 0 : i32
      %sign3A_301 = arith.cmpi slt, %jit3A_288, %sign3A_300 : i32
      %sign3A_302 = arith.extui %sign3A_301 : i1 to i32
      %sign3A_303 = arith.subi %sign3A_299, %sign3A_302 : i32
      %ne3A_304 = arith.cmpi ne, %sign3A_296, %sign3A_303 : i32
      %rem3A_305 = arith.remsi %add3A_287, %jit3A_288 : i32
      %ne3A_306 = arith.constant 0 : i32
      %ne3A_307 = arith.cmpi ne, %rem3A_305, %ne3A_306 : i32
      %and3A_308 = arith.andi %ne3A_304, %ne3A_307 : i1
      %sub3A_309 = arith.constant 1 : i32
      %sub3A_310 = arith.subi %div3A_289, %sub3A_309 : i32
      %select_n3A_311 = arith.select %and3A_308, %sub3A_310, %div3A_289 : i32
      %jit3A_312 = arith.constant 1 : i32
      %eq3A_313 = arith.constant 0 : i32
      %eq3A_314 = arith.cmpi eq, %jit3A_312, %eq3A_313 : i32
      %jit3A_315 = arith.constant 1 : i32
      %select_n3A_316 = arith.select %eq3A_314, %jit3A_315, %jit3A_312 : i32
      %rem3A_317 = arith.remsi %add3A_287, %select_n3A_316 : i32
      %ne3A_318 = arith.constant 0 : i32
      %ne3A_319 = arith.cmpi ne, %rem3A_317, %ne3A_318 : i32
      %lt3A_320 = arith.constant 0 : i32
      %lt3A_321 = arith.cmpi slt, %rem3A_317, %lt3A_320 : i32
      %lt3A_322 = arith.constant 0 : i32
      %lt3A_323 = arith.cmpi slt, %select_n3A_316, %lt3A_322 : i32
      %ne3A_324 = arith.xori %lt3A_321, %lt3A_323 : i1
      %and3A_325 = arith.andi %ne3A_324, %ne3A_319 : i1
      %add3A_326 = arith.addi %rem3A_317, %select_n3A_316 : i32
      %select_n3A_327 = arith.select %and3A_325, %add3A_326, %rem3A_317 : i32
      %mul3A_328 = arith.constant 128 : i32
      %mul3A_329 = arith.muli %select_n3A_327, %mul3A_328 : i32
      %dma_wait3A_330 = tpu.memref_slice %arg4[%add3A, %select_n3A_311, %mul3A_329] : memref<32x80x128xi32, #tpu.memory_space<hbm>> -> memref<1x1x128xi32, #tpu.memory_space<hbm>>
      %dma_wait3A_331 = tpu.memref_squeeze %dma_wait3A_330 : memref<1x1x128xi32, #tpu.memory_space<hbm>> -> memref<128xi32, #tpu.memory_space<hbm>>
      %dma_wait3A_332 = tpu.memref_slice %arg4[%add3A, %select_n3A_311, %mul3A_329] : memref<32x80x128xi32, #tpu.memory_space<hbm>> -> memref<1x1x128xi32, #tpu.memory_space<hbm>>
      %dma_wait3A_333 = tpu.memref_squeeze %dma_wait3A_332 : memref<1x1x128xi32, #tpu.memory_space<hbm>> -> memref<128xi32, #tpu.memory_space<hbm>>
      tpu.wait_dma2 semaphore(%arg14 : memref<!tpu.dma_semaphore, #tpu.memory_space<semaphore_mem>>) src(%dma_wait3A_333 : memref<128xi32, #tpu.memory_space<hbm>>) dst(%arg8 : memref<128xi32, #tpu.memory_space<vmem>>)
      "tpu.region"() ({
        %run_scoped3A = tpu.sem_alloc : memref<!tpu.dma_semaphore, #tpu.memory_space<semaphore_mem>>
        %dma_start3A_334 = arith.constant 0 : i32
        %dma_start3A_335 = arith.constant 0 : i32
        %dma_start3A_336 = tpu.memref_slice %arg15[%dma_start3A_334, %dma_start3A_335] : memref<10240x128xf32, #tpu.memory_space<vmem_shared>> -> memref<10240x128xf32, #tpu.memory_space<vmem_shared>>
        tpu.enqueue_indirect_dma source(%arg10 : memref<128x128xf32, #tpu.memory_space<vmem>>) target(%dma_start3A_336 : memref<10240x128xf32, #tpu.memory_space<vmem_shared>>) offsets(%arg8 : memref<128xi32, #tpu.memory_space<vmem>>) semaphore(%run_scoped3A : memref<!tpu.dma_semaphore, #tpu.memory_space<semaphore_mem>>) {add = true}
        %dma_wait3A_337 = arith.constant 0 : i32
        %dma_wait3A_338 = arith.constant 0 : i32
        %dma_wait3A_339 = tpu.memref_slice %arg15[%dma_wait3A_337, %dma_wait3A_338] : memref<10240x128xf32, #tpu.memory_space<vmem_shared>> -> memref<10240x128xf32, #tpu.memory_space<vmem_shared>>
        tpu.wait_indirect_dma semaphore(%run_scoped3A : memref<!tpu.dma_semaphore, #tpu.memory_space<semaphore_mem>>) src(%arg10 : memref<128x128xf32, #tpu.memory_space<vmem>>) dst(%dma_wait3A_339 : memref<10240x128xf32, #tpu.memory_space<vmem_shared>>)
        tpu.yield
      }) : () -> ()
    }
    %scan3A_44 = arith.constant 40 : i32
    %barrier3A_45 = arith.constant 0 : index
    tpu.barrier barrier_id(%barrier3A_45)
    %mul3A_46 = arith.constant 640 : i32
    %mul3A_47 = arith.muli %arg1, %mul3A_46 : i32
    %mul3A_48 = arith.constant 640 : i32
    %mul3A_49 = arith.muli %arg1, %mul3A_48 : i32
    "tpu.region"() ({
      %run_scoped3A = tpu.sem_alloc : memref<!tpu.dma_semaphore, #tpu.memory_space<semaphore_mem>>
      %dma_start3A_50 = arith.constant 0 : i32
      %dma_start3A_51 = tpu.memref_slice %arg5[%arg0, %mul3A_49, %dma_start3A_50] : memref<2x10240x128xf32, #tpu.memory_space<hbm>> -> memref<1x640x128xf32, #tpu.memory_space<hbm>>
      %dma_start3A_52 = tpu.memref_squeeze %dma_start3A_51 : memref<1x640x128xf32, #tpu.memory_space<hbm>> -> memref<640x128xf32, #tpu.memory_space<hbm>>
      %dma_start3A_53 = arith.constant 0 : i32
      %dma_start3A_54 = tpu.memref_slice %arg15[%mul3A_47, %dma_start3A_53] : memref<10240x128xf32, #tpu.memory_space<vmem_shared>> -> memref<640x128xf32, #tpu.memory_space<vmem_shared>>
      tpu.enqueue_dma source(%dma_start3A_54 : memref<640x128xf32, #tpu.memory_space<vmem_shared>>) target(%dma_start3A_52 : memref<640x128xf32, #tpu.memory_space<hbm>>) target_semaphore(%run_scoped3A : memref<!tpu.dma_semaphore, #tpu.memory_space<semaphore_mem>>)
      %dma_wait3A = arith.constant 0 : i32
      %dma_wait3A_55 = tpu.memref_slice %arg5[%arg0, %mul3A_49, %dma_wait3A] : memref<2x10240x128xf32, #tpu.memory_space<hbm>> -> memref<1x640x128xf32, #tpu.memory_space<hbm>>
      %dma_wait3A_56 = tpu.memref_squeeze %dma_wait3A_55 : memref<1x640x128xf32, #tpu.memory_space<hbm>> -> memref<640x128xf32, #tpu.memory_space<hbm>>
      %dma_wait3A_57 = arith.constant 0 : i32
      %dma_wait3A_58 = tpu.memref_slice %arg15[%mul3A_47, %dma_wait3A_57] : memref<10240x128xf32, #tpu.memory_space<vmem_shared>> -> memref<640x128xf32, #tpu.memory_space<vmem_shared>>
      tpu.wait_dma2 semaphore(%run_scoped3A : memref<!tpu.dma_semaphore, #tpu.memory_space<semaphore_mem>>) src(%dma_wait3A_58 : memref<640x128xf32, #tpu.memory_space<vmem_shared>>) dst(%dma_wait3A_56 : memref<640x128xf32, #tpu.memory_space<hbm>>)
      tpu.yield
    }) : () -> ()
    return
  }
}

module attributes {stable_mosaic.version = 14 : i64} {
  func.func @_atom_body(%arg0: i32, %arg1: memref<1000x128xf32, #tpu.memory_space<vmem>>, %arg2: memref<128x128xf32, #tpu.memory_space<vmem>>, %arg3: memref<1x128xf32, #tpu.memory_space<vmem>>, %arg4: memref<1000x128xf32, #tpu.memory_space<vmem>>) attributes {dimension_semantics = [#tpu.dimension_semantics<arbitrary>], iteration_bounds = array<i64: 10>, scalar_prefetch = 0 : i64, scratch_operands = 0 : i64, tpu.core_type = #tpu.core_type<tc>, window_params = [{transform_indices = @transform_0, window_bounds = array<i64: 1000, 128>}, {pipeline_mode = #tpu.pipeline_mode<synchronous>, transform_indices = @transform_1, window_bounds = array<i64: 128, 128>}, {pipeline_mode = #tpu.pipeline_mode<synchronous>, transform_indices = @transform_2, window_bounds = array<i64: 1, 128>}, {transform_indices = @transform_3, window_bounds = array<i64: 1000, 128>}]} {
    %get3A = arith.constant 0 : index
    %get3A_0 = arith.constant 0 : index
    %get3A_1 = vector.load %arg1[%get3A, %get3A_0] : memref<1000x128xf32, #tpu.memory_space<vmem>>, vector<1000x128xf32>
    %get3A_2 = arith.constant 0 : index
    %get3A_3 = arith.constant 0 : index
    %get3A_4 = vector.load %arg2[%get3A_2, %get3A_3] : memref<128x128xf32, #tpu.memory_space<vmem>>, vector<128x128xf32>
    %dot_general3A = arith.constant dense<0.000000e+00> : vector<1000x128xf32>
    %dot_general3A_5 = tpu.matmul %get3A_1, %get3A_4, %dot_general3A {dimension_numbers = #tpu.dot_dimension_numbers<[1], [0], [0], [1], [0, 0, 1, 1], [], []>, transpose_lhs_hint = false} : vector<1000x128xf32>, vector<128x128xf32>, vector<1000x128xf32> -> vector<1000x128xf32>
    %get3A_6 = arith.constant 0 : index
    %get3A_7 = arith.constant 0 : index
    %get3A_8 = vector.load %arg3[%get3A_6, %get3A_7] : memref<1x128xf32, #tpu.memory_space<vmem>>, vector<1x128xf32>
    %add3A = vector.broadcast %get3A_8 : vector<1x128xf32> to vector<1000x128xf32>
    %add3A_9 = arith.addf %dot_general3A_5, %add3A : vector<1000x128xf32>
    %max3A = arith.constant 0.000000e+00 : f32
    %max3A_10 = vector.broadcast %max3A : f32 to vector<1000x128xf32>
    %max3A_11 = arith.maximumf %add3A_9, %max3A_10 : vector<1000x128xf32>
    %swap3A = arith.constant 0 : index
    %swap3A_12 = arith.constant 0 : index
    %swap3A_13 = vector.load %arg4[%swap3A, %swap3A_12] : memref<1000x128xf32, #tpu.memory_space<vmem>>, vector<1000x128xf32>
    tpu.vector_store %arg4[%swap3A, %swap3A_12], %max3A_11 {strides = array<i32>} : memref<1000x128xf32, #tpu.memory_space<vmem>>, vector<1000x128xf32>,
    return
  }
  func.func @transform_0(%arg0: i32) -> (i32, i32) {
    %c0_i32 = arith.constant 0 : i32
    %c0_i32_0 = arith.constant 0 : i32
    return %arg0, %c0_i32 : i32, i32
  }
  func.func @transform_1(%arg0: i32) -> (i32, i32) {
    %c0_i32 = arith.constant 0 : i32
    %c0_i32_0 = arith.constant 0 : i32
    %c0_i32_1 = arith.constant 0 : i32
    return %c0_i32, %c0_i32_0 : i32, i32
  }
  func.func @transform_2(%arg0: i32) -> (i32, i32) {
    %c0_i32 = arith.constant 0 : i32
    %c0_i32_0 = arith.constant 0 : i32
    %c0_i32_1 = arith.constant 0 : i32
    return %c0_i32, %c0_i32_0 : i32, i32
  }
  func.func @transform_3(%arg0: i32) -> (i32, i32) {
    %c0_i32 = arith.constant 0 : i32
    %c0_i32_0 = arith.constant 0 : i32
    return %arg0, %c0_i32 : i32, i32
  }
}

module attributes {stable_mosaic.version = 14 : i64} {
  func.func @_gin_body(%arg0: i32, %arg1: memref<1000x128xf32, #tpu.memory_space<vmem>>, %arg2: memref<1x1000x128xf32, #tpu.memory_space<vmem>>, %arg3: memref<1x1000x128xf32, #tpu.memory_space<vmem>>, %arg4: memref<128x128xf32, #tpu.memory_space<vmem>>, %arg5: memref<1x128xf32, #tpu.memory_space<vmem>>, %arg6: memref<1000x128xf32, #tpu.memory_space<vmem>>) attributes {dimension_semantics = [#tpu.dimension_semantics<arbitrary>], iteration_bounds = array<i64: 10>, scalar_prefetch = 0 : i64, scratch_operands = 0 : i64, tpu.core_type = #tpu.core_type<tc>, window_params = [{transform_indices = @transform_0, window_bounds = array<i64: 1000, 128>}, {transform_indices = @transform_1, window_bounds = array<i64: 1, 1000, 128>}, {transform_indices = @transform_2, window_bounds = array<i64: 1, 1000, 128>}, {pipeline_mode = #tpu.pipeline_mode<synchronous>, transform_indices = @transform_3, window_bounds = array<i64: 128, 128>}, {pipeline_mode = #tpu.pipeline_mode<synchronous>, transform_indices = @transform_4, window_bounds = array<i64: 1, 128>}, {transform_indices = @transform_5, window_bounds = array<i64: 1000, 128>}]} {
    %get3A = arith.constant 0 : index
    %get3A_0 = arith.constant 0 : index
    %get3A_1 = vector.load %arg1[%get3A, %get3A_0] : memref<1000x128xf32, #tpu.memory_space<vmem>>, vector<1000x128xf32>
    %get3A_2 = arith.constant 0 : index
    %get3A_3 = arith.constant 0 : index
    %get3A_4 = arith.constant 0 : index
    %get3A_5 = vector.load %arg2[%get3A_2, %get3A_3, %get3A_4] : memref<1x1000x128xf32, #tpu.memory_space<vmem>>, vector<1x1000x128xf32>
    %get3A_6 = vector.shape_cast %get3A_5 : vector<1x1000x128xf32> to vector<1000x128xf32>
    %add3A = arith.addf %get3A_1, %get3A_6 : vector<1000x128xf32>
    %get3A_7 = arith.constant 0 : index
    %get3A_8 = arith.constant 0 : index
    %get3A_9 = arith.constant 0 : index
    %get3A_10 = vector.load %arg3[%get3A_7, %get3A_8, %get3A_9] : memref<1x1000x128xf32, #tpu.memory_space<vmem>>, vector<1x1000x128xf32>
    %get3A_11 = vector.shape_cast %get3A_10 : vector<1x1000x128xf32> to vector<1000x128xf32>
    %add3A_12 = arith.addf %add3A, %get3A_11 : vector<1000x128xf32>
    %get3A_13 = arith.constant 0 : index
    %get3A_14 = arith.constant 0 : index
    %get3A_15 = vector.load %arg4[%get3A_13, %get3A_14] : memref<128x128xf32, #tpu.memory_space<vmem>>, vector<128x128xf32>
    %dot_general3A = arith.constant dense<0.000000e+00> : vector<1000x128xf32>
    %dot_general3A_16 = tpu.matmul %add3A_12, %get3A_15, %dot_general3A {dimension_numbers = #tpu.dot_dimension_numbers<[1], [0], [0], [1], [0, 0, 1, 1], [], []>, transpose_lhs_hint = false} : vector<1000x128xf32>, vector<128x128xf32>, vector<1000x128xf32> -> vector<1000x128xf32>
    %get3A_17 = arith.constant 0 : index
    %get3A_18 = arith.constant 0 : index
    %get3A_19 = vector.load %arg5[%get3A_17, %get3A_18] : memref<1x128xf32, #tpu.memory_space<vmem>>, vector<1x128xf32>
    %add3A_20 = vector.broadcast %get3A_19 : vector<1x128xf32> to vector<1000x128xf32>
    %add3A_21 = arith.addf %dot_general3A_16, %add3A_20 : vector<1000x128xf32>
    %max3A = arith.constant 0.000000e+00 : f32
    %max3A_22 = vector.broadcast %max3A : f32 to vector<1000x128xf32>
    %max3A_23 = arith.maximumf %add3A_21, %max3A_22 : vector<1000x128xf32>
    %add3A_24 = arith.addf %get3A_1, %max3A_23 : vector<1000x128xf32>
    %swap3A = arith.constant 0 : index
    %swap3A_25 = arith.constant 0 : index
    %swap3A_26 = vector.load %arg6[%swap3A, %swap3A_25] : memref<1000x128xf32, #tpu.memory_space<vmem>>, vector<1000x128xf32>
    tpu.vector_store %arg6[%swap3A, %swap3A_25], %add3A_24 {strides = array<i32>} : memref<1000x128xf32, #tpu.memory_space<vmem>>, vector<1000x128xf32>,
    return
  }
  func.func @transform_0(%arg0: i32) -> (i32, i32) {
    %c0_i32 = arith.constant 0 : i32
    %c0_i32_0 = arith.constant 0 : i32
    return %arg0, %c0_i32 : i32, i32
  }
  func.func @transform_1(%arg0: i32) -> (i32, i32, i32) {
    %c0_i32 = arith.constant 0 : i32
    %c0_i32_0 = arith.constant 0 : i32
    %c0_i32_1 = arith.constant 0 : i32
    return %c0_i32, %arg0, %c0_i32_0 : i32, i32, i32
  }
  func.func @transform_2(%arg0: i32) -> (i32, i32, i32) {
    %c1_i32 = arith.constant 1 : i32
    %c0_i32 = arith.constant 0 : i32
    %c0_i32_0 = arith.constant 0 : i32
    return %c1_i32, %arg0, %c0_i32 : i32, i32, i32
  }
  func.func @transform_3(%arg0: i32) -> (i32, i32) {
    %c0_i32 = arith.constant 0 : i32
    %c0_i32_0 = arith.constant 0 : i32
    %c0_i32_1 = arith.constant 0 : i32
    return %c0_i32, %c0_i32_0 : i32, i32
  }
  func.func @transform_4(%arg0: i32) -> (i32, i32) {
    %c0_i32 = arith.constant 0 : i32
    %c0_i32_0 = arith.constant 0 : i32
    %c0_i32_1 = arith.constant 0 : i32
    return %c0_i32, %c0_i32_0 : i32, i32
  }
  func.func @transform_5(%arg0: i32) -> (i32, i32) {
    %c0_i32 = arith.constant 0 : i32
    %c0_i32_0 = arith.constant 0 : i32
    return %arg0, %c0_i32 : i32, i32
  }
}

module attributes {stable_mosaic.version = 14 : i64} {
  func.func @_pool_body(%arg0: memref<10000x128xf32, #tpu.memory_space<vmem>>, %arg1: memref<10000x1xi32, #tpu.memory_space<vmem>>, %arg2: memref<1x128xf32, #tpu.memory_space<vmem>>, %arg3: memref<1x128xf32, #tpu.memory_space<vmem>>, %arg4: memref<1x128xf32, #tpu.memory_space<vmem>>, %arg5: memref<1x1xf32, #tpu.memory_space<vmem>>, %arg6: memref<128x128xf32, #tpu.memory_space<vmem>>, %arg7: memref<1x128xf32, #tpu.memory_space<vmem>>, %arg8: memref<64x128xf32, #tpu.memory_space<vmem>>) attributes {dimension_semantics = [], scalar_prefetch = 0 : i64, scratch_operands = 0 : i64, tpu.core_type = #tpu.core_type<tc>} {
    %get3A = arith.constant 0 : index
    %get3A_0 = arith.constant 0 : index
    %get3A_1 = vector.load %arg0[%get3A, %get3A_0] : memref<10000x128xf32, #tpu.memory_space<vmem>>, vector<10000x128xf32>
    %reduce_sum3A = arith.constant dense<0.000000e+00> : vector<10000xf32>
    %reduce_sum3A_2 = vector.multi_reduction <add>, %get3A_1, %reduce_sum3A [1] : vector<10000x128xf32> to vector<10000xf32>
    %broadcast_in_dim3A = vector.shape_cast %reduce_sum3A_2 : vector<10000xf32> to vector<10000x1xf32>
    %div3A = arith.constant 1.280000e+02 : f32
    %div3A_3 = vector.broadcast %div3A : f32 to vector<10000x1xf32>
    %div3A_4 = arith.divf %broadcast_in_dim3A, %div3A_3 : vector<10000x1xf32>
    %sub3A = vector.broadcast %div3A_4 : vector<10000x1xf32> to vector<10000x128xf32>
    %sub3A_5 = arith.subf %get3A_1, %sub3A : vector<10000x128xf32>
    %sub3A_6 = vector.broadcast %div3A_4 : vector<10000x1xf32> to vector<10000x128xf32>
    %sub3A_7 = arith.subf %get3A_1, %sub3A_6 : vector<10000x128xf32>
    %mul3A = arith.mulf %sub3A_5, %sub3A_7 : vector<10000x128xf32>
    %reduce_sum3A_8 = arith.constant dense<0.000000e+00> : vector<10000xf32>
    %reduce_sum3A_9 = vector.multi_reduction <add>, %mul3A, %reduce_sum3A_8 [1] : vector<10000x128xf32> to vector<10000xf32>
    %broadcast_in_dim3A_10 = vector.shape_cast %reduce_sum3A_9 : vector<10000xf32> to vector<10000x1xf32>
    %div3A_11 = arith.constant 1.280000e+02 : f32
    %div3A_12 = vector.broadcast %div3A_11 : f32 to vector<10000x1xf32>
    %div3A_13 = arith.divf %broadcast_in_dim3A_10, %div3A_12 : vector<10000x1xf32>
    %sub3A_14 = vector.broadcast %div3A_4 : vector<10000x1xf32> to vector<10000x128xf32>
    %sub3A_15 = arith.subf %get3A_1, %sub3A_14 : vector<10000x128xf32>
    %add3A = arith.constant 9.99999974E-6 : f32
    %add3A_16 = vector.broadcast %add3A : f32 to vector<10000x1xf32>
    %add3A_17 = arith.addf %div3A_13, %add3A_16 : vector<10000x1xf32>
    %rsqrt3A = math.rsqrt %add3A_17 : vector<10000x1xf32>
    %mul3A_18 = vector.broadcast %rsqrt3A : vector<10000x1xf32> to vector<10000x128xf32>
    %mul3A_19 = arith.mulf %sub3A_15, %mul3A_18 : vector<10000x128xf32>
    %get3A_20 = arith.constant 0 : index
    %get3A_21 = arith.constant 0 : index
    %get3A_22 = vector.load %arg2[%get3A_20, %get3A_21] : memref<1x128xf32, #tpu.memory_space<vmem>>, vector<1x128xf32>
    %mul3A_23 = vector.broadcast %get3A_22 : vector<1x128xf32> to vector<10000x128xf32>
    %mul3A_24 = arith.mulf %mul3A_19, %mul3A_23 : vector<10000x128xf32>
    %get3A_25 = arith.constant 0 : index
    %get3A_26 = arith.constant 0 : index
    %get3A_27 = vector.load %arg3[%get3A_25, %get3A_26] : memref<1x128xf32, #tpu.memory_space<vmem>>, vector<1x128xf32>
    %add3A_28 = vector.broadcast %get3A_27 : vector<1x128xf32> to vector<10000x128xf32>
    %add3A_29 = arith.addf %mul3A_24, %add3A_28 : vector<10000x128xf32>
    %get3A_30 = arith.constant 0 : index
    %get3A_31 = arith.constant 0 : index
    %get3A_32 = vector.load %arg4[%get3A_30, %get3A_31] : memref<1x128xf32, #tpu.memory_space<vmem>>, vector<1x128xf32>
    %mul3A_33 = vector.broadcast %get3A_32 : vector<1x128xf32> to vector<10000x128xf32>
    %mul3A_34 = arith.mulf %add3A_29, %mul3A_33 : vector<10000x128xf32>
    %reduce_sum3A_35 = arith.constant dense<0.000000e+00> : vector<10000xf32>
    %reduce_sum3A_36 = vector.multi_reduction <add>, %mul3A_34, %reduce_sum3A_35 [1] : vector<10000x128xf32> to vector<10000xf32>
    %broadcast_in_dim3A_37 = vector.shape_cast %reduce_sum3A_36 : vector<10000xf32> to vector<10000x1xf32>
    %get3A_38 = arith.constant 0 : index
    %get3A_39 = arith.constant 0 : index
    %get3A_40 = vector.load %arg5[%get3A_38, %get3A_39] : memref<1x1xf32, #tpu.memory_space<vmem>>, vector<1x1xf32>
    %get3A_41 = vector.extract %get3A_40[0, 0] : f32 from vector<1x1xf32>
    %add3A_42 = vector.broadcast %get3A_41 : f32 to vector<10000x1xf32>
    %add3A_43 = arith.addf %broadcast_in_dim3A_37, %add3A_42 : vector<10000x1xf32>
    %get3A_44 = arith.constant 0 : index
    %get3A_45 = arith.constant 0 : index
    %get3A_46 = vector.load %arg6[%get3A_44, %get3A_45] : memref<128x128xf32, #tpu.memory_space<vmem>>, vector<128x128xf32>
    %dot_general3A = arith.constant dense<0.000000e+00> : vector<10000x128xf32>
    %dot_general3A_47 = tpu.matmul %add3A_29, %get3A_46, %dot_general3A {dimension_numbers = #tpu.dot_dimension_numbers<[1], [0], [0], [1], [0, 0, 1, 1], [], []>, transpose_lhs_hint = false} : vector<10000x128xf32>, vector<128x128xf32>, vector<10000x128xf32> -> vector<10000x128xf32>
    %get3A_48 = arith.constant 0 : index
    %get3A_49 = arith.constant 0 : index
    %get3A_50 = vector.load %arg7[%get3A_48, %get3A_49] : memref<1x128xf32, #tpu.memory_space<vmem>>, vector<1x128xf32>
    %add3A_51 = vector.broadcast %get3A_50 : vector<1x128xf32> to vector<10000x128xf32>
    %add3A_52 = arith.addf %dot_general3A_47, %add3A_51 : vector<10000x128xf32>
    %max3A = arith.constant 0.000000e+00 : f32
    %max3A_53 = vector.broadcast %max3A : f32 to vector<10000x128xf32>
    %max3A_54 = arith.maximumf %add3A_52, %max3A_53 : vector<10000x128xf32>
    %get3A_55 = arith.constant 0 : index
    %get3A_56 = arith.constant 0 : index
    %get3A_57 = vector.load %arg1[%get3A_55, %get3A_56] : memref<10000x1xi32, #tpu.memory_space<vmem>>, vector<10000x1xi32>
    %iota3A = tpu.iota {dimensions = array<i32: 1>} : vector<1x64xi32>
    %eq3A = vector.broadcast %get3A_57 : vector<10000x1xi32> to vector<10000x64xi32>
    %eq3A_58 = vector.broadcast %iota3A : vector<1x64xi32> to vector<10000x64xi32>
    %eq3A_59 = arith.cmpi eq, %eq3A, %eq3A_58 : vector<10000x64xi32>
    %convert_element_type3A = arith.extui %eq3A_59 : vector<10000x64xi1> to vector<10000x64xi32>
    %convert_element_type3A_60 = arith.sitofp %convert_element_type3A : vector<10000x64xi32> to vector<10000x64xf32>
    %jit3A = arith.constant -1.000000e+30 : f32
    %broadcast_in_dim3A_61 = vector.shape_cast %add3A_43 : vector<10000x1xf32> to vector<10000x1xf32>
    %broadcast_in_dim3A_62 = vector.broadcast %broadcast_in_dim3A_61 : vector<10000x1xf32> to vector<10000x64xf32>
    %broadcast_in_dim3A_63 = vector.broadcast %jit3A : f32 to vector<10000x64xf32>
    %select_n3A = arith.select %eq3A_59, %broadcast_in_dim3A_62, %broadcast_in_dim3A_63 : vector<10000x64xi1>, vector<10000x64xf32>
    %reduce_max3A = arith.constant dense<0xFF800000> : vector<64xf32>
    %reduce_max3A_64 = vector.multi_reduction <maximumf>, %select_n3A, %reduce_max3A [0] : vector<10000x64xf32> to vector<64xf32>
    %broadcast_in_dim3A_65 = vector.shape_cast %reduce_max3A_64 : vector<64xf32> to vector<1x64xf32>
    %mul3A_66 = vector.broadcast %broadcast_in_dim3A_65 : vector<1x64xf32> to vector<10000x64xf32>
    %mul3A_67 = arith.mulf %convert_element_type3A_60, %mul3A_66 : vector<10000x64xf32>
    %reduce_sum3A_68 = arith.constant dense<0.000000e+00> : vector<10000xf32>
    %reduce_sum3A_69 = vector.multi_reduction <add>, %mul3A_67, %reduce_sum3A_68 [1] : vector<10000x64xf32> to vector<10000xf32>
    %broadcast_in_dim3A_70 = vector.shape_cast %reduce_sum3A_69 : vector<10000xf32> to vector<10000x1xf32>
    %sub3A_71 = arith.subf %add3A_43, %broadcast_in_dim3A_70 : vector<10000x1xf32>
    %exp3A = math.exp %sub3A_71 : vector<10000x1xf32>
    %mul3A_72 = vector.broadcast %exp3A : vector<10000x1xf32> to vector<10000x64xf32>
    %mul3A_73 = arith.mulf %convert_element_type3A_60, %mul3A_72 : vector<10000x64xf32>
    %reduce_sum3A_74 = arith.constant dense<0.000000e+00> : vector<64xf32>
    %reduce_sum3A_75 = vector.multi_reduction <add>, %mul3A_73, %reduce_sum3A_74 [0] : vector<10000x64xf32> to vector<64xf32>
    %broadcast_in_dim3A_76 = vector.shape_cast %reduce_sum3A_75 : vector<64xf32> to vector<1x64xf32>
    %mul3A_77 = vector.broadcast %broadcast_in_dim3A_76 : vector<1x64xf32> to vector<10000x64xf32>
    %mul3A_78 = arith.mulf %convert_element_type3A_60, %mul3A_77 : vector<10000x64xf32>
    %reduce_sum3A_79 = arith.constant dense<0.000000e+00> : vector<10000xf32>
    %reduce_sum3A_80 = vector.multi_reduction <add>, %mul3A_78, %reduce_sum3A_79 [1] : vector<10000x64xf32> to vector<10000xf32>
    %broadcast_in_dim3A_81 = vector.shape_cast %reduce_sum3A_80 : vector<10000xf32> to vector<10000x1xf32>
    %add3A_82 = arith.constant 1.000000e-16 : f32
    %add3A_83 = vector.broadcast %add3A_82 : f32 to vector<10000x1xf32>
    %add3A_84 = arith.addf %broadcast_in_dim3A_81, %add3A_83 : vector<10000x1xf32>
    %div3A_85 = arith.divf %exp3A, %add3A_84 : vector<10000x1xf32>
    %mul3A_86 = vector.broadcast %div3A_85 : vector<10000x1xf32> to vector<10000x64xf32>
    %mul3A_87 = arith.mulf %convert_element_type3A_60, %mul3A_86 : vector<10000x64xf32>
    %dot_general3A_88 = arith.constant dense<0.000000e+00> : vector<64x128xf32>
    %dot_general3A_89 = tpu.matmul %mul3A_87, %max3A_54, %dot_general3A_88 {dimension_numbers = #tpu.dot_dimension_numbers<[0], [0], [1], [1], [0, 1, 1, 1], [], []>, transpose_lhs_hint = false} : vector<10000x64xf32>, vector<10000x128xf32>, vector<64x128xf32> -> vector<64x128xf32>
    %swap3A = arith.constant 0 : index
    %swap3A_90 = arith.constant 0 : index
    %swap3A_91 = vector.load %arg8[%swap3A, %swap3A_90] : memref<64x128xf32, #tpu.memory_space<vmem>>, vector<64x128xf32>
    tpu.vector_store %arg8[%swap3A, %swap3A_90], %dot_general3A_89 {strides = array<i32>} : memref<64x128xf32, #tpu.memory_space<vmem>>, vector<64x128xf32>,
    return
  }
}

module attributes {stable_mosaic.version = 14 : i64} {
  func.func @_tail_body(%arg0: memref<64x128xf32, #tpu.memory_space<vmem>>, %arg1: memref<64x128xf32, #tpu.memory_space<vmem>>, %arg2: memref<128x128xf32, #tpu.memory_space<vmem>>, %arg3: memref<1x128xf32, #tpu.memory_space<vmem>>, %arg4: memref<1x128xf32, #tpu.memory_space<vmem>>, %arg5: memref<1x128xf32, #tpu.memory_space<vmem>>, %arg6: memref<384x64xf32, #tpu.memory_space<vmem>>, %arg7: memref<1x64xf32, #tpu.memory_space<vmem>>, %arg8: memref<64x64xf32, #tpu.memory_space<vmem>>, %arg9: memref<1x64xf32, #tpu.memory_space<vmem>>, %arg10: memref<1x64xf32, #tpu.memory_space<vmem>>, %arg11: memref<1x1xf32, #tpu.memory_space<vmem>>, %arg12: memref<64x1xf32, #tpu.memory_space<vmem>>) attributes {dimension_semantics = [], scalar_prefetch = 0 : i64, scratch_operands = 0 : i64, tpu.core_type = #tpu.core_type<tc>} {
    %get3A = arith.constant 0 : index
    %get3A_0 = arith.constant 0 : index
    %get3A_1 = vector.load %arg1[%get3A, %get3A_0] : memref<64x128xf32, #tpu.memory_space<vmem>>, vector<64x128xf32>
    %get3A_2 = arith.constant 0 : index
    %get3A_3 = arith.constant 0 : index
    %get3A_4 = vector.load %arg2[%get3A_2, %get3A_3] : memref<128x128xf32, #tpu.memory_space<vmem>>, vector<128x128xf32>
    %dot_general3A = arith.constant dense<0.000000e+00> : vector<64x128xf32>
    %dot_general3A_5 = tpu.matmul %get3A_1, %get3A_4, %dot_general3A {dimension_numbers = #tpu.dot_dimension_numbers<[1], [0], [0], [1], [0, 0, 1, 1], [], []>, transpose_lhs_hint = false} : vector<64x128xf32>, vector<128x128xf32>, vector<64x128xf32> -> vector<64x128xf32>
    %get3A_6 = arith.constant 0 : index
    %get3A_7 = arith.constant 0 : index
    %get3A_8 = vector.load %arg3[%get3A_6, %get3A_7] : memref<1x128xf32, #tpu.memory_space<vmem>>, vector<1x128xf32>
    %add3A = vector.broadcast %get3A_8 : vector<1x128xf32> to vector<64x128xf32>
    %add3A_9 = arith.addf %dot_general3A_5, %add3A : vector<64x128xf32>
    %reduce_sum3A = arith.constant dense<0.000000e+00> : vector<64xf32>
    %reduce_sum3A_10 = vector.multi_reduction <add>, %add3A_9, %reduce_sum3A [1] : vector<64x128xf32> to vector<64xf32>
    %broadcast_in_dim3A = vector.shape_cast %reduce_sum3A_10 : vector<64xf32> to vector<64x1xf32>
    %div3A = arith.constant 1.280000e+02 : f32
    %div3A_11 = vector.broadcast %div3A : f32 to vector<64x1xf32>
    %div3A_12 = arith.divf %broadcast_in_dim3A, %div3A_11 : vector<64x1xf32>
    %sub3A = vector.broadcast %div3A_12 : vector<64x1xf32> to vector<64x128xf32>
    %sub3A_13 = arith.subf %add3A_9, %sub3A : vector<64x128xf32>
    %sub3A_14 = vector.broadcast %div3A_12 : vector<64x1xf32> to vector<64x128xf32>
    %sub3A_15 = arith.subf %add3A_9, %sub3A_14 : vector<64x128xf32>
    %mul3A = arith.mulf %sub3A_13, %sub3A_15 : vector<64x128xf32>
    %reduce_sum3A_16 = arith.constant dense<0.000000e+00> : vector<64xf32>
    %reduce_sum3A_17 = vector.multi_reduction <add>, %mul3A, %reduce_sum3A_16 [1] : vector<64x128xf32> to vector<64xf32>
    %broadcast_in_dim3A_18 = vector.shape_cast %reduce_sum3A_17 : vector<64xf32> to vector<64x1xf32>
    %div3A_19 = arith.constant 1.280000e+02 : f32
    %div3A_20 = vector.broadcast %div3A_19 : f32 to vector<64x1xf32>
    %div3A_21 = arith.divf %broadcast_in_dim3A_18, %div3A_20 : vector<64x1xf32>
    %sub3A_22 = vector.broadcast %div3A_12 : vector<64x1xf32> to vector<64x128xf32>
    %sub3A_23 = arith.subf %add3A_9, %sub3A_22 : vector<64x128xf32>
    %add3A_24 = arith.constant 9.99999974E-6 : f32
    %add3A_25 = vector.broadcast %add3A_24 : f32 to vector<64x1xf32>
    %add3A_26 = arith.addf %div3A_21, %add3A_25 : vector<64x1xf32>
    %rsqrt3A = math.rsqrt %add3A_26 : vector<64x1xf32>
    %mul3A_27 = vector.broadcast %rsqrt3A : vector<64x1xf32> to vector<64x128xf32>
    %mul3A_28 = arith.mulf %sub3A_23, %mul3A_27 : vector<64x128xf32>
    %get3A_29 = arith.constant 0 : index
    %get3A_30 = arith.constant 0 : index
    %get3A_31 = vector.load %arg4[%get3A_29, %get3A_30] : memref<1x128xf32, #tpu.memory_space<vmem>>, vector<1x128xf32>
    %mul3A_32 = vector.broadcast %get3A_31 : vector<1x128xf32> to vector<64x128xf32>
    %mul3A_33 = arith.mulf %mul3A_28, %mul3A_32 : vector<64x128xf32>
    %get3A_34 = arith.constant 0 : index
    %get3A_35 = arith.constant 0 : index
    %get3A_36 = vector.load %arg5[%get3A_34, %get3A_35] : memref<1x128xf32, #tpu.memory_space<vmem>>, vector<1x128xf32>
    %add3A_37 = vector.broadcast %get3A_36 : vector<1x128xf32> to vector<64x128xf32>
    %add3A_38 = arith.addf %mul3A_33, %add3A_37 : vector<64x128xf32>
    %max3A = arith.constant 0.000000e+00 : f32
    %max3A_39 = vector.broadcast %max3A : f32 to vector<64x128xf32>
    %max3A_40 = arith.maximumf %add3A_38, %max3A_39 : vector<64x128xf32>
    %get3A_41 = arith.constant 0 : index
    %get3A_42 = arith.constant 0 : index
    %get3A_43 = vector.load %arg0[%get3A_41, %get3A_42] : memref<64x128xf32, #tpu.memory_space<vmem>>, vector<64x128xf32>
    %mul3A_44 = arith.mulf %get3A_43, %max3A_40 : vector<64x128xf32>
    %concatenate3A = tpu.concatenate %get3A_43, %max3A_40, %mul3A_44 in 1 : vector<64x128xf32>, vector<64x128xf32>, vector<64x128xf32> -> vector<64x384xf32>
    %get3A_45 = arith.constant 0 : index
    %get3A_46 = arith.constant 0 : index
    %get3A_47 = vector.load %arg6[%get3A_45, %get3A_46] : memref<384x64xf32, #tpu.memory_space<vmem>>, vector<384x64xf32>
    %dot_general3A_48 = arith.constant dense<0.000000e+00> : vector<64x64xf32>
    %dot_general3A_49 = tpu.matmul %concatenate3A, %get3A_47, %dot_general3A_48 {dimension_numbers = #tpu.dot_dimension_numbers<[1], [0], [0], [1], [0, 0, 1, 1], [], []>, transpose_lhs_hint = false} : vector<64x384xf32>, vector<384x64xf32>, vector<64x64xf32> -> vector<64x64xf32>
    %get3A_50 = arith.constant 0 : index
    %get3A_51 = arith.constant 0 : index
    %get3A_52 = vector.load %arg7[%get3A_50, %get3A_51] : memref<1x64xf32, #tpu.memory_space<vmem>>, vector<1x64xf32>
    %add3A_53 = vector.broadcast %get3A_52 : vector<1x64xf32> to vector<64x64xf32>
    %add3A_54 = arith.addf %dot_general3A_49, %add3A_53 : vector<64x64xf32>
    %get3A_55 = arith.constant 0 : index
    %get3A_56 = arith.constant 0 : index
    %get3A_57 = vector.load %arg8[%get3A_55, %get3A_56] : memref<64x64xf32, #tpu.memory_space<vmem>>, vector<64x64xf32>
    %dot_general3A_58 = arith.constant dense<0.000000e+00> : vector<64x64xf32>
    %dot_general3A_59 = tpu.matmul %add3A_54, %get3A_57, %dot_general3A_58 {dimension_numbers = #tpu.dot_dimension_numbers<[1], [0], [0], [1], [0, 0, 1, 1], [], []>, transpose_lhs_hint = false} : vector<64x64xf32>, vector<64x64xf32>, vector<64x64xf32> -> vector<64x64xf32>
    %get3A_60 = arith.constant 0 : index
    %get3A_61 = arith.constant 0 : index
    %get3A_62 = vector.load %arg9[%get3A_60, %get3A_61] : memref<1x64xf32, #tpu.memory_space<vmem>>, vector<1x64xf32>
    %add3A_63 = vector.broadcast %get3A_62 : vector<1x64xf32> to vector<64x64xf32>
    %add3A_64 = arith.addf %dot_general3A_59, %add3A_63 : vector<64x64xf32>
    %max3A_65 = arith.constant 0.000000e+00 : f32
    %max3A_66 = vector.broadcast %max3A_65 : f32 to vector<64x64xf32>
    %max3A_67 = arith.maximumf %add3A_64, %max3A_66 : vector<64x64xf32>
    %get3A_68 = arith.constant 0 : index
    %get3A_69 = arith.constant 0 : index
    %get3A_70 = vector.load %arg10[%get3A_68, %get3A_69] : memref<1x64xf32, #tpu.memory_space<vmem>>, vector<1x64xf32>
    %mul3A_71 = vector.broadcast %get3A_70 : vector<1x64xf32> to vector<64x64xf32>
    %mul3A_72 = arith.mulf %max3A_67, %mul3A_71 : vector<64x64xf32>
    %reduce_sum3A_73 = arith.constant dense<0.000000e+00> : vector<64xf32>
    %reduce_sum3A_74 = vector.multi_reduction <add>, %mul3A_72, %reduce_sum3A_73 [1] : vector<64x64xf32> to vector<64xf32>
    %broadcast_in_dim3A_75 = vector.shape_cast %reduce_sum3A_74 : vector<64xf32> to vector<64x1xf32>
    %get3A_76 = arith.constant 0 : index
    %get3A_77 = arith.constant 0 : index
    %get3A_78 = vector.load %arg11[%get3A_76, %get3A_77] : memref<1x1xf32, #tpu.memory_space<vmem>>, vector<1x1xf32>
    %get3A_79 = vector.extract %get3A_78[0, 0] : f32 from vector<1x1xf32>
    %add3A_80 = vector.broadcast %get3A_79 : f32 to vector<64x1xf32>
    %add3A_81 = arith.addf %broadcast_in_dim3A_75, %add3A_80 : vector<64x1xf32>
    %swap3A = arith.constant 0 : index
    %swap3A_82 = arith.constant 0 : index
    %swap3A_83 = vector.load %arg12[%swap3A, %swap3A_82] : memref<64x1xf32, #tpu.memory_space<vmem>>, vector<64x1xf32>
    tpu.vector_store %arg12[%swap3A, %swap3A_82], %add3A_81 {strides = array<i32>} : memref<64x1xf32, #tpu.memory_space<vmem>>, vector<64x1xf32>,
    return
  }
}

</mosaic_0001>

<sc_bundles>
// kernel: kernel.12.cloned.1.call-start
scs
__scs_entry_jumppad:
0x0: {  	(pc) =	sbr.rel $0x88, $3  }
0x1: {  	(tag) =	ssettag $0x0;
	lr =	simm.s32 $0x1  }
0x2: {  	[smem:$0x3F87] =	sst lr;
	_ =	strace $0xD0000000  }
0x3: {  	_ = 	snop  }
0x4: {  	_ = 	snop  }
0x5: {  	_ = 	snop  }
0x6: {  	_ = 	snop  }
0x7: {  	_ = 	snop  }
__scs_overlays_trampoline_lowered:
0x8: {  	[smem:$0x3F96] =	sst s0  }
0x9: {  	[smem:$0x3F97] =	sst s1  }
0xa: {  	[smem:$0x3F98] =	sst s2  }
0xb: {  	[smem:$0x3F99] =	sst s3  }
0xc: {  	[smem:$0x3F9A] =	sst s4  }
0xd: {  	[smem:$0x3F9B] =	sst s5  }
0xe: {  	[smem:$0x3F9C] =	sst s6  }
0xf: {  	[smem:$0x3F9D] =	sst s7  }
0x10: {  	[smem:$0x3F9E] =	sst s8  }
0x11: {  	[smem:$0x3F9F] =	sst s9;
	s0 =	simm.s32 @!p0 $0x0  }
0x12: {  	s1 =	sld [smem:$0x3F85];
	s0 =	simm.s32 @p0 $0x1  }
0x13: {  	[smem:$0x3FA0] =	sst s0;
	s0 =	simm.s32 @!p1 $0x0  }
0x14: {  	s2 =	sld [smem:$0x3F84];
	s0 =	simm.s32 @p1 $0x1  }
0x15: {  	[smem:$0x3FA1] =	sst s0;
	s0 =	simm.s32 @!p2 $0x0  }
0x16: {  	s3 =	sld [smem:$0x3FDB];
	s0 =	simm.s32 @p2 $0x1  }
0x17: {  	s4 =	simm.s32 $0x1BF5;
	[smem:$0x3FA3] =	sst s0  }
0x18: {  	s0 =	sld [smem:$0x3F86];
	_ =	swait.ge [sflag:s4], $0x0  }
0x19: {  	s7 =	sld [smem:$0x3F87]  }
0x1a: {  	s8 =	sadd.s32 $0xFFFFE003, lr  }
0x1b: {  	s9 =	sadd.s32 $0xFFFFFEF7, lr;
	s5 =	simm.s32 $0xFFFFFFFF;
	p2 =	slt.u32 s8, $0xFFFFF086  }
0x1c: {  	p1 =	slt.u32 s9, $0xF7A;
	s5 =	simm.s32 @!p2 $0x0  }
0x1d: {  	s5 =	simm.s32 @p1 $0x1;
	p0 =	seq.s32 s7, s2  }
0x1e: {  	s7 =	smul.u32 @!p0 $0xF7A, s2;
	p2 =	seq.s32 @!p0 s5, $0x0  }
0x1f: {  	s9 =	smul.u32 $0xF7A, s1;
	s8 =	simm.s32 @!p0 $0x1BF5;
	p2 =	por !p2, p0  }
0x20: {  	[sflag:s8] =	ssyncset.s32 @!p0 $0xFFFFF086;
	s6 =	sadd.s32 @!p0 s3, s7;
	s7 =	simm.s32 @!p0 $0x108  }
0x21: {  	s3 =	sadd.s32 s3, s9;
	s6 =	sadd.s32 @!p0 $0x88, s6;
	s7 =	simm.s32 @p2 $0x1082  }
0x22: {  	[simem:s7], [sflag:s8] =	dma.local @!p0 [hbm:s6], $0xF7A  }
0x23: {  	s9 =	sor.u32 $0xD0000000, s2;
	s6 =	simm.s32 $0x108;
	_ =	swait.ge @!p0 [sflag:s8], $0x0  }
0x24: {  	s3 =	sadd.s32 $0x88, s3;
	s6 =	simm.s32 @!p1 $0x1082;
	[sflag:s4] =	ssyncset.s32 $0xFFFFF086  }
0x25: {  	[simem:s6], [sflag:s4] =	dma.local [hbm:s3], $0xF7A  }
0x26: {  	[smem:$0x3F87] =	sst s1;
	(tag) =	ssettag s2;
	_ =	strace s9  }
0x27: {  	s1 =	sld [smem:$0x3F97]  }
0x28: {  	s2 =	sld [smem:$0x3F98]  }
0x29: {  	s4 =	sld [smem:$0x3F9A]  }
0x2a: {  	p0 =	seq.s32 s5, $0x0;
	s5 =	sld [smem:$0x3F9B]  }
0x2b: {  	s6 =	sld [smem:$0x3F9C]  }
0x2c: {  	s7 =	sld [smem:$0x3F9D]  }
0x2d: {  	s3 =	simm.s32 $0x108;
	s8 =	sld [smem:$0x3F9E]  }
0x2e: {  	s3 =	simm.s32 @!p0 $0x1082;
	s9 =	sld [smem:$0x3F9F]  }
0x2f: {  	lr =	sadd.s32 s0, s3;
	s0 =	sld [smem:$0x3F96]  }
0x30: {  	s3 =	sld [smem:$0x3F99]  }
0x31: {  	[smem:$0x3FA2] =	sst s10  }
0x32: {  	s10 =	sld [smem:$0x3FA0];
	_ =	sdelay $0x3  }
0x33: {  	p0 =	seq.s32 s10, $0x1;
	s10 =	sld [smem:$0x3FA2];
	_ =	sdelay $0x3  }
0x34: {  	[smem:$0x3FA2] =	sst s10  }
0x35: {  	s10 =	sld [smem:$0x3FA1];
	_ =	sdelay $0x3  }
0x36: {  	p1 =	seq.s32 s10, $0x1;
	s10 =	sld [smem:$0x3FA2];
	_ =	sdelay $0x3  }
0x37: {  	[smem:$0x3FA2] =	sst s10  }
0x38: {  	s10 =	sld [smem:$0x3FA3]  }
0x39: {  	_ = 	snop;
	(pc) =	sbr.ind lr, $3  }
0x3a: {  	_ = 	snop  }
0x3b: {  	_ = 	snop  }
0x3c: {  	p2 =	seq.s32 s10, $0x1;
	s10 =	sld [smem:$0x3FA2]  }
0x3d: {  	_ =	shalt  }
0x3e: {  	_ =	shalt  }
0x3f: {  	_ =	shalt  }
0x40: {  	_ =	shalt  }
0x41: {  	_ =	shalt  }
0x42: {  	_ =	shalt  }
0x43: {  	_ =	shalt  }
0x44: {  	_ =	shalt  }
0x45: {  	_ =	shalt  }
0x46: {  	_ =	shalt  }
0x47: {  	_ =	shalt  }
0x48: {  	_ =	shalt  }
0x49: {  	_ =	shalt  }
0x4a: {  	_ =	shalt  }
0x4b: {  	_ =	shalt  }
0x4c: {  	_ =	shalt  }
0x4d: {  	_ =	shalt  }
0x4e: {  	_ =	shalt  }
0x4f: {  	_ =	shalt  }
0x50: {  	_ =	shalt  }
0x51: {  	_ =	shalt  }
0x52: {  	_ =	shalt  }
0x53: {  	_ =	shalt  }
0x54: {  	_ =	shalt  }
0x55: {  	_ =	shalt  }
0x56: {  	_ =	shalt  }
0x57: {  	_ =	shalt  }
0x58: {  	_ =	shalt  }
0x59: {  	_ =	shalt  }
0x5a: {  	_ =	shalt  }
0x5b: {  	_ =	shalt  }
0x5c: {  	_ =	shalt  }
0x5d: {  	_ =	shalt  }
0x5e: {  	_ =	shalt  }
0x5f: {  	_ =	shalt  }
0x60: {  	_ =	shalt  }
0x61: {  	_ =	shalt  }
0x62: {  	_ =	shalt  }
0x63: {  	_ =	shalt  }
0x64: {  	_ =	shalt  }
0x65: {  	_ =	shalt  }
0x66: {  	_ =	shalt  }
0x67: {  	_ =	shalt  }
0x68: {  	_ =	shalt  }
0x69: {  	_ =	shalt  }
0x6a: {  	_ =	shalt  }
0x6b: {  	_ =	shalt  }
0x6c: {  	_ =	shalt  }
0x6d: {  	_ =	shalt  }
0x6e: {  	_ =	shalt  }
0x6f: {  	_ =	shalt  }
0x70: {  	_ =	shalt  }
0x71: {  	_ =	shalt  }
0x72: {  	_ =	shalt  }
0x73: {  	_ =	shalt  }
0x74: {  	_ =	shalt  }
0x75: {  	_ =	shalt  }
0x76: {  	_ =	shalt  }
0x77: {  	_ =	shalt  }
0x78: {  	_ =	shalt  }
0x79: {  	_ =	shalt  }
0x7a: {  	_ =	shalt  }
0x7b: {  	_ =	shalt  }
0x7c: {  	_ =	shalt  }
0x7d: {  	_ =	shalt  }
0x7e: {  	_ =	shalt  }
0x7f: {  	_ =	shalt  }
0x80: {  	_ =	shalt  }
0x81: {  	_ =	shalt  }
0x82: {  	_ =	shalt  }
0x83: {  	_ =	shalt  }
0x84: {  	_ =	shalt  }
0x85: {  	_ =	shalt  }
0x86: {  	_ =	shalt  }
0x87: {  	_ =	shalt  }
.Lfunc_end0:
.L_simem_size_0:
called_computation.1_lowered:
.L_overlay_start_0:
0x88: {  	s2 =	sld [smem:$0x3FD9]  }
0x89: {  	s3 =	sld [smem:$0x3FFE];
	_ =	sdelay $0x1  }
0x8a: {  	s1 =	srdreg.scid  }
0x8b: {  	s0 =	sand.u32 $0x1, s1  }
0x8c: {  	s16 =	sshll.u32 s0, $0xA;
	s2 =	sadd.s32 s3, s2  }
0x8d: {  	s2 =	sadd.s32 s2, s16  }
0x8e: {  	[smem:$0x3FAE] =	sst s2  }
0x8f: {  	_ = 	snop  }
0x90: {  	(tm) =	ssettm $0x1  }
0x91: {  	s17 =	sld [smem:$0x3FFB];
	_ =	sdelay $0x3  }
0x92: {  	_ =	strace s17  }
0x93: {  	s2 =	sld [smem:$0x3FFC];
	_ =	sdelay $0x3  }
0x94: {  	_ =	strace s2  }
0x95: {  	s2 =	sld [smem:$0x3FFD];
	_ =	sdelay $0x3  }
0x96: {  	_ =	strace s2  }
0x97: {  	_ =	strace $0x8FFFFFFF  }
0x98: {  	s18 =	sld [smem:$0x3FDB];
	_ =	sdelay $0x1  }
0x99: {  	s19 =	simm.s32 $_scs_section_size  }
0x9a: {  	s4 =	simm.s32 $_size__tile_overlayer_lowered;
	s5 =	simm.s32 $_tile_overlayer_lowered  }
0x9b: {  	s22 =	simm.s32 $0x1BFF;
	s21 =	sshll.u32 s5, $0x1;
	s2 =	sadd.s32 s19, s18  }
0x9c: {  	s6 =	simm.s32 $0x0;
	s20 =	sshll.u32 s4, $0x1;
	s4 =	sadd.s32 s21, s2  }
0x9d: {  	[timem:s6], [sflag:s22] =	dma.local [hbm:s4], s20  }
0x9e: {  	_ =	swait.ge [sflag:s22], s20  }
0x9f: {  	s3 =	ssub.s32 $0x0, s20;
	[sflag:s22] =	ssyncset.done $0x0  }
0xa0: {  	[sflag:s22] =	ssyncadd.s32 s3;
	_ =	sdelay $0x1  }
0xa1: {  	s23 =	simm.s32 $0x1B8B  }
0xa2: {  	_ =	swait.ge [sflag:s23], $0x1  }
0xa3: {  	[sflag:s23] =	ssyncset.done $0x0  }
0xa4: {  	s25 =	simm.s32 $0x1B8E;
	s24 =	sld [smem:$0x3FFE];
	[sflag:s23] =	ssyncadd.s32 $0xFFFFFFFF  }
0xa5: {  	s26 =	simm.s32 $execute0_lowered;
	[smem:$0x3FD2] =	sst s25  }
0xa6: {  	s4 =	sshll.u32 s26, $0x1;
	_ =	strace $0x80000049;
	[dreg:$0x1] =	wrdreg $0xFFFFFFFF  }
0xa7: {  	s28 =	simm.s32 $_size_execute0_lowered;
	s2 =	sadd.s32 s2, s4;
	[dreg:$0x0] =	wrdreg $0x0  }
0xa8: {  	s4 =	sshll.u32 s28, $0x1;
	[dreg:$0x2] =	wrdreg s2  }
0xa9: {  	[dreg:$0x3] =	wrdreg s4  }
0xaa: {  	[dreg:$0x4] =	wrdreg $0xC0  }
0xab: {  	_ =	task [dreg:s6], $0x5FFFF  }
0xac: {  	[dreg:$0x1] =	wrdreg $0xFFFFFFFF  }
0xad: {  	[dreg:$0x0] =	wrdreg $0x60  }
0xae: {  	[dreg:$0x2] =	wrdreg s24  }
0xaf: {  	[dreg:$0x3] =	wrdreg $0xA9000  }
0xb0: {  	[dreg:$0x4] =	wrdreg $0x9  }
0xb1: {  	_ =	task.clear_ibuf [dreg:s6], $0x5FFFF;
	_ =	strace $0x90000049  }
0xb2: {  	s29 =	simm.s32 $0x9;
	_ =	strace $0x8000004B  }
0xb3: {  	_ =	swait.ge [sflag:s29], $0x1  }
0xb4: {  	[sflag:s29] =	ssyncadd.s32 $0xFFFFFFFF  }
0xb5: {  	_ =	strace $0x9000004B  }
0xb6: {  	_ =	sfence  }
0xb7: {  	s30 =	sld [smem:$0x0];
	_ =	sdelay $0x2  }
0xb8: {  	s31 =	sshll.u32 s1, $0xD;
	s1 =	sshrl.u32 s1, $0x2  }
0xb9: {  	s3 =	sand.u32 $0x4000, s31;
	s1 =	sadd.s32 s1, s30  }
0xba: {  	s0 =	sor.u32 s3, s0;
	s1 =	sshll.u32 s1, $0x11  }
0xbb: {  	s0 =	sor.u32 s1, s0  }
0xbc: {  	s0 =	sadd.s32 $0x8F2B, s0  }
0xbd: {  	[sflag:s0] =	ssyncadd.remote.s32 $0x1  }
0xbe: {  	_ =	sfence.sel $0xFFFF  }
0xbf: {  	[dreg:$0x0] =	wrdreg $0xFFFFFFFF;
	(pc) =	sbr.abs _section_cstart, $3  }
0xc0: {  	[dreg:$0x1] =	wrdreg $0xFFFFFFFF  }
0xc1: {  	_ =	task.clear_ibuf [dreg:s6], $0x2FFFF;
	_ =	strace $0x9FFFFFFF  }
0xc2: {  	(tm) =	ssettm $0x7FFFFFFF  }
0xc3: {  	_ =	shalt  }
tec
execute0_lowered:
.L_overlay_start_1:
0x0: {  	(tag) =	ssettag $0x1  }
0x1: {  	s0 =	srdreg.scid  }
0x2: {  	s6 =	stileid.u32;
	s1 =	rddreg [dreg:$0x0]  }
0x3: {  	s2 =	rddreg [dreg:$0x1];
	s17 =	simm.s32 $0x5;
	s18 =	simm.s32 $0x2900  }
0x4: {  	s19 =	simm.s32 $0x2800;
	s20 =	simm.s32 $0x80;
	s21 =	simm.s32 $0x6900  }
0x5: {  	s22 =	simm.s32 $0x2880;
	s23 =	simm.s32 $0x1;
	s24 =	simm.s32 $0x3  }
0x6: {  	s25 =	simm.s32 $0x2;
	s26 =	simm.s32 $0x4;
	s29 =	simm.s32 $0x0  }
0x7: {  	s0 =	sand.u32 $0x1, s0;
	s3 =	sshll.u32 s6, $0x1;
	s9 =	smul.u32 $0x14000, s6  }
0x8: {  	s5 =	sadd.s32 $0x18400, s1;
	s11 =	smul.u32 $0x50000, s6;
	s6 =	sadd.s32 $0xE400, s1  }
0x9: {  	s4 =	sor.u32 s0, s3;
	s3 =	simm.s32 $0x0;
	s7 =	smul.u32 $0x140000, s0  }
0xa: {  	s0 =	ssub.s32 $0x2, s0;
	s4 =	smul.u32 $0x2800, s4;
	[smem:$0x7FF] =	sst s3  }
0xb: {  	s28 =	sshrl.u32 s0, $0x1;
	s11 =	sshrl.u32 s11, $0x2;
	_ =	strace $0x8000004A  }
0xc: {  	s7 =	sadd.s32 s9, s7;
	s0 =	ssub.s32 s0, s28;
	s8 =	sshrl.u32 s4, $0x3  }
0xd: {  	s7 =	sshrl.u32 s7, $0x3;
	s15 =	smax.u32 s0, $0x1;
	s10 =	sadd.s32 s8, s1  }
0xe: {  	s1 =	sadd.s32 s7, s1;
	s7 =	sadd.s32 s11, s2;
	s13 =	sadd.s32 s6, s8  }
0xf: {  	s30 =	sadd.s32 $0x4400, s10;
	s31 =	sadd.s32 $0x4000, s7;
	s10 =	sadd.s32 $0x8000, s7  }
0x10: {  	s11 =	sadd.s32 $0xC000, s7;
	s12 =	sadd.s32 $0x10000, s7;
	[dreg:$0x3] =	wrdreg s30  }
0x11: {  	v0 =	vimm.f32 $0.0e+00;
	s14 =	sadd.s32 $0x3F600, s1;
	s16 =	sadd.s32 $0x4F0, s13;
	[dreg:$0x4] =	wrdreg s31  }
.LBB2_1:
0x12: {  	s0 =	rddreg [dreg:$0x3]  }
0x13: {  	[tilespmem:s3], [sflag:$0x5] =	stream.linear.gather [hbm4b:s0+s3], $0x2800, $0x38;
	[tilespmem:$0x1E900] =	vst v63  }
0x14: {  	_ =	swait.ge [sflag:s17], $0x2800  }
0x15: {  	[sflag:s17] =	ssyncset.done $0x0  }
0x16: {  	s1 =	simm.s32 $0x0;
	s0 =	simm.s32 $0x200;
	[sflag:s17] =	ssyncadd.s32 $0xFFFFD800  }
.LBB2_2:
0x17: {  	p0 =	sne.s32 s0, $0xFE00;
	[tilespmem:s1+$0x2970] =	vst v0  }
0x18: {  	[tilespmem:s1+$0x2900] =	vst v0  }
0x19: {  	[tilespmem:s1+$0x2910] =	vst v0  }
.Ltmp0:
0x1a: {  	[tilespmem:s1+$0x2920] =	vst v0;
	(pc) =	sbr.rel @p0 .LBB2_2-.Ltmp0, $4  }
0x1b: {  	[tilespmem:s1+$0x2930] =	vst v0  }
0x1c: {  	[tilespmem:s1+$0x2940] =	vst v0  }
0x1d: {  	[tilespmem:s1+$0x2950] =	vst v0  }
0x1e: {  	[tilespmem:s1+$0x2960] =	vst v0;
	s1 =	sshra.s32 s0, $0x2;
	s0 =	sadd.s32 $0x200, s0  }
0x1f: {  	[tilespmem:s1+$0x2970] =	vst v0  }
0x20: {  	[tilespmem:s1+$0x2900] =	vst v0  }
0x21: {  	[tilespmem:s1+$0x2910] =	vst v0  }
0x22: {  	[tilespmem:s1+$0x2920] =	vst v0  }
0x23: {  	[tilespmem:s1+$0x2930] =	vst v0  }
0x24: {  	[tilespmem:s1+$0x2940] =	vst v0  }
0x25: {  	[tilespmem:s1+$0x2950] =	vst v0  }
0x26: {  	[tilespmem:s1+$0x2960] =	vst v0  }
0x27: {  	[spmem:s7] =	stream.linear.scatter [tilespmem:s18], [sflag:$0x5], $0x4000, $0x38;
	[tilespmem:$0x1E900] =	vst v63  }
0x28: {  	_ =	swait.ge [sflag:s17], $0x4000  }
0x29: {  	[sflag:s17] =	ssyncset.done $0x0  }
0x2a: {  	s0 =	rddreg [dreg:$0x4];
	[sflag:s17] =	ssyncadd.s32 $0xFFFFC000  }
0x2b: {  	[spmem:s0] =	stream.linear.scatter [tilespmem:s18], [sflag:$0x5], $0x4000, $0x38;
	[tilespmem:$0x1E900] =	vst v63  }
0x2c: {  	_ =	swait.ge [sflag:s17], $0x4000  }
0x2d: {  	[sflag:s17] =	ssyncset.done $0x0  }
0x2e: {  	[sflag:s17] =	ssyncadd.s32 $0xFFFFC000  }
0x2f: {  	[spmem:s10] =	stream.linear.scatter [tilespmem:s18], [sflag:$0x5], $0x4000, $0x38;
	[tilespmem:$0x1E900] =	vst v63  }
0x30: {  	_ =	swait.ge [sflag:s17], $0x4000  }
0x31: {  	[sflag:s17] =	ssyncset.done $0x0  }
0x32: {  	[sflag:s17] =	ssyncadd.s32 $0xFFFFC000  }
0x33: {  	[spmem:s11] =	stream.linear.scatter [tilespmem:s18], [sflag:$0x5], $0x4000, $0x38;
	[tilespmem:$0x1E900] =	vst v63  }
0x34: {  	_ =	swait.ge [sflag:s17], $0x4000  }
0x35: {  	[sflag:s17] =	ssyncset.done $0x0  }
0x36: {  	[sflag:s17] =	ssyncadd.s32 $0xFFFFC000  }
0x37: {  	[spmem:s12] =	stream.linear.scatter [tilespmem:s18], [sflag:$0x5], $0x4000, $0x38;
	[tilespmem:$0x1E900] =	vst v63  }
0x38: {  	_ =	swait.ge [sflag:s17], $0x4000  }
0x39: {  	s9 =	simm.s32 $0x0;
	[sflag:s17] =	ssyncset.done $0x0  }
0x3a: {  	s8 =	simm.s32 $0x80;
	s1 =	sand.u32 $0x3C00, s9;
	[sflag:s17] =	ssyncadd.s32 $0xFFFFC000  }
0x3b: {  	s8 =	sand.u32 $0x380, s8;
	s1 =	sadd.s32 s4, s1;
	[bflag:$0x0] =	sbarrier.arrive $0xFFFF  }
0x3c: {  	[tilespmem:s19], [sflag:$0x3] =	stream.linear.gather [hbm4b:s13+s3], $0x80, $0x38;
	[tilespmem:$0x1E900] =	vst v63  }
0x3d: {  	s1 =	sor.u32 s1, s8;
	s0 =	simm.s32 $0x80  }
0x3e: {  	[tilespmem:s18], [sflag:$0x1] =	stream.indirect.gather [hbm4b:s5+s0], $0x80, s3, s0, $0xb8;
	[tilespmem:$0x1E900] =	vst v63  }
0x3f: {  	s1 =	sshrl.u32 s1, $0x3  }
0x40: {  	[tilespmem:s21], [sflag:$0x2] =	stream.indirect.gather [hbm4b:s5+s20], $0x80, s0, s20, $0xb8;
	[tilespmem:$0x1E900] =	vst v63  }
0x41: {  	s1 =	sadd.s32 s6, s1  }
0x42: {  	[tilespmem:s22], [sflag:$0x4] =	stream.linear.gather [hbm4b:s1+s3], $0x80, $0x38;
	[tilespmem:$0x1E900] =	vst v63  }
0x43: {  	_ =	swait.ge [sflag:s23], $0x4000  }
0x44: {  	[sflag:s23] =	ssyncset.done $0x0  }
0x45: {  	[sflag:s23] =	ssyncadd.s32 $0xFFFFC000  }
0x46: {  	s8 =	simm.s32 $0x100;
	_ =	swait.ge [sflag:s24], $0x80  }
0x47: {  	s9 =	sand.u32 $0x7C00, s8;
	[sflag:s24] =	ssyncset.done $0x0  }
0x48: {  	s0 =	sand.u32 $0x300, s8;
	s1 =	sadd.s32 s4, s9;
	[sflag:s24] =	ssyncadd.s32 $0xFFFFFF80  }
0x49: {  	[spmem:s2] =	stream.indirect.scatter.add.f32 [tilespmem:s18], [sflag:$0x5], $0x80, s19, s20, $0xb8;
	[tilespmem:$0x1E900] =	vst v63  }
0x4a: {  	s0 =	sor.u32 s0, s1;
	_ =	swait.ge [sflag:s17], $0x4000  }
0x4b: {  	s0 =	sshrl.u32 s0, $0x3;
	[sflag:s17] =	ssyncset.done $0x0  }
0x4c: {  	s0 =	sadd.s32 s6, s0;
	[sflag:s17] =	ssyncadd.s32 $0xFFFFC000  }
0x4d: {  	[tilespmem:s19], [sflag:$0x3] =	stream.linear.gather [hbm4b:s0+s3], $0x80, $0x38;
	[tilespmem:$0x1E900] =	vst v63  }
0x4e: {  	s8 =	simm.s32 $0x100  }
0x4f: {  	[tilespmem:s18], [sflag:$0x1] =	stream.indirect.gather [hbm4b:s5+s20], $0x80, s8, s20, $0xb8;
	[tilespmem:$0x1E900] =	vst v63  }
0x50: {  	_ =	swait.ge [sflag:s25], $0x4000  }
0x51: {  	s31 =	simm.s32 $0x200;
	s30 =	simm.s32 $0x180;
	[sflag:s25] =	ssyncset.done $0x0  }
0x52: {  	s9 =	simm.s32 $0x100;
	s1 =	simm.s32 $0x300;
	[sflag:s25] =	ssyncadd.s32 $0xFFFFC000  }
0x53: {  	s28 =	sand.u32 $0x3C00, s9;
	s8 =	simm.s32 $0x180;
	_ =	swait.ge [sflag:s26], $0x80  }
.LBB2_4:
0x54: {  	s28 =	sadd.s32 s4, s28  }
0x55: {  	s8 =	sand.u32 $0x380, s8;
	[sflag:s26] =	ssyncset.done $0x0;
	s9 =	smov.u32 s1  }
0x56: {  	s0 =	sadd.s32 $0x100, s1;
	s8 =	sor.u32 s28, s8;
	[sflag:s26] =	ssyncadd.s32 $0xFFFFFF80  }
0x57: {  	[spmem:s2] =	stream.indirect.scatter.add.f32 [tilespmem:s21], [sflag:$0x5], $0x80, s22, s20, $0xb8;
	[tilespmem:$0x1E900] =	vst v63  }
0x58: {  	p0 =	sne.s32 s1, $0x2700;
	s1 =	sshrl.u32 s8, $0x3;
	_ =	swait.ge [sflag:s17], $0x4000  }
0x59: {  	[sflag:s17] =	ssyncset.done $0x0  }
0x5a: {  	[sflag:s17] =	ssyncadd.s32 $0xFFFFC000  }
0x5b: {  	[tilespmem:s21], [sflag:$0x2] =	stream.indirect.gather [hbm4b:s5+s20], $0x80, s30, s20, $0xb8;
	[tilespmem:$0x1E900] =	vst v63  }
0x5c: {  	s1 =	sadd.s32 s6, s1  }
0x5d: {  	[tilespmem:s22], [sflag:$0x4] =	stream.linear.gather [hbm4b:s1+s3], $0x80, $0x38;
	[tilespmem:$0x1E900] =	vst v63  }
0x5e: {  	_ =	swait.ge [sflag:s23], $0x4000  }
0x5f: {  	[sflag:s23] =	ssyncset.done $0x0  }
0x60: {  	[sflag:s23] =	ssyncadd.s32 $0xFFFFC000  }
0x61: {  	_ =	swait.ge [sflag:s24], $0x80  }
0x62: {  	[sflag:s24] =	ssyncset.done $0x0  }
0x63: {  	s1 =	sand.u32 $0x7C00, s31;
	[sflag:s24] =	ssyncadd.s32 $0xFFFFFF80  }
0x64: {  	[spmem:s2] =	stream.indirect.scatter.add.f32 [tilespmem:s18], [sflag:$0x5], $0x80, s19, s20, $0xb8;
	[tilespmem:$0x1E900] =	vst v63  }
0x65: {  	s8 =	sand.u32 $0x300, s31;
	s31 =	smov.u32 s9;
	s1 =	sadd.s32 s4, s1  }
0x66: {  	s1 =	sor.u32 s8, s1;
	_ =	swait.ge [sflag:s17], $0x4000  }
0x67: {  	s1 =	sshrl.u32 s1, $0x3;
	[sflag:s17] =	ssyncset.done $0x0  }
0x68: {  	s1 =	sadd.s32 s6, s1;
	[sflag:s17] =	ssyncadd.s32 $0xFFFFC000  }
0x69: {  	[tilespmem:s19], [sflag:$0x3] =	stream.linear.gather [hbm4b:s1+s3], $0x80, $0x38;
	[tilespmem:$0x1E900] =	vst v63  }
0x6a: {  	s1 =	sadd.s32 $0x80, s30  }
0x6b: {  	[tilespmem:s18], [sflag:$0x1] =	stream.indirect.gather [hbm4b:s5+s20], $0x80, s1, s20, $0xb8;
	[tilespmem:$0x1E900] =	vst v63  }
.Ltmp1:
0x6c: {  	_ = 	snop;
	(pc) =	sbr.rel @p0 .LBB2_4-.Ltmp1, $4  }
0x6d: {  	_ =	swait.ge [sflag:s25], $0x4000  }
0x6e: {  	s8 =	sadd.s32 $0xFFFFFF80, s31;
	[sflag:s25] =	ssyncset.done $0x0  }
0x6f: {  	s30 =	sadd.s32 $0x100, s30;
	s1 =	sadd.s32 $0xFFFFFF00, s31;
	[sflag:s25] =	ssyncadd.s32 $0xFFFFC000  }
0x70: {  	s28 =	sand.u32 $0x3C00, s1;
	s1 =	smov.u32 s0;
	_ =	swait.ge [sflag:s26], $0x80  }
0x71: {  	[sflag:s26] =	ssyncset.done $0x0  }
0x72: {  	[sflag:s26] =	ssyncadd.s32 $0xFFFFFF80  }
0x73: {  	[spmem:s2] =	stream.indirect.scatter.add.f32 [tilespmem:s21], [sflag:$0x5], $0x80, s22, s20, $0xb8;
	[tilespmem:$0x1E900] =	vst v63  }
0x74: {  	s0 =	sadd.s32 s4, s28;
	s1 =	sand.u32 $0x380, s8;
	_ =	swait.ge [sflag:s17], $0x4000  }
0x75: {  	s0 =	sor.u32 s0, s1;
	[sflag:s17] =	ssyncset.done $0x0  }
0x76: {  	s0 =	sshrl.u32 s0, $0x3;
	[sflag:s17] =	ssyncadd.s32 $0xFFFFC000  }
0x77: {  	[tilespmem:s21], [sflag:$0x2] =	stream.indirect.gather [hbm4b:s5+s20], $0x80, s30, s20, $0xb8;
	[tilespmem:$0x1E900] =	vst v63  }
0x78: {  	s0 =	sadd.s32 s6, s0  }
0x79: {  	[tilespmem:s22], [sflag:$0x4] =	stream.linear.gather [hbm4b:s0+s3], $0x80, $0x38;
	[tilespmem:$0x1E900] =	vst v63  }
0x7a: {  	_ =	swait.ge [sflag:s23], $0x4000  }
0x7b: {  	[sflag:s23] =	ssyncset.done $0x0  }
0x7c: {  	[sflag:s23] =	ssyncadd.s32 $0xFFFFC000  }
0x7d: {  	_ =	swait.ge [sflag:s24], $0x80  }
0x7e: {  	s1 =	sand.u32 $0x7C00, s31;
	[sflag:s24] =	ssyncset.done $0x0  }
0x7f: {  	s8 =	sand.u32 $0x300, s31;
	s0 =	sadd.s32 s4, s1;
	[sflag:s24] =	ssyncadd.s32 $0xFFFFFF80  }
0x80: {  	[spmem:s2] =	stream.indirect.scatter.add.f32 [tilespmem:s18], [sflag:$0x5], $0x80, s19, s20, $0xb8;
	[tilespmem:$0x1E900] =	vst v63  }
0x81: {  	s0 =	sor.u32 s8, s0;
	_ =	swait.ge [sflag:s17], $0x4000  }
0x82: {  	s0 =	sshrl.u32 s0, $0x3;
	[sflag:s17] =	ssyncset.done $0x0  }
0x83: {  	s0 =	sadd.s32 s6, s0;
	[sflag:s17] =	ssyncadd.s32 $0xFFFFC000  }
0x84: {  	[tilespmem:s19], [sflag:$0x3] =	stream.linear.gather [hbm4b:s0+s3], $0x80, $0x38;
	[tilespmem:$0x1E900] =	vst v63  }
0x85: {  	s9 =	sadd.s32 $0x80, s30  }
0x86: {  	[tilespmem:s18], [sflag:$0x1] =	stream.indirect.gather [hbm4b:s5+s20], $0x80, s9, s20, $0xb8;
	[tilespmem:$0x1E900] =	vst v63  }
0x87: {  	_ =	swait.ge [sflag:s25], $0x4000  }
0x88: {  	[sflag:s25] =	ssyncset.done $0x0  }
0x89: {  	[sflag:s25] =	ssyncadd.s32 $0xFFFFC000  }
0x8a: {  	_ =	swait.ge [sflag:s26], $0x80  }
0x8b: {  	[sflag:s26] =	ssyncset.done $0x0  }
0x8c: {  	[sflag:s26] =	ssyncadd.s32 $0xFFFFFF80  }
0x8d: {  	[spmem:s2] =	stream.indirect.scatter.add.f32 [tilespmem:s21], [sflag:$0x5], $0x80, s22, s20, $0xb8;
	[tilespmem:$0x1E900] =	vst v63  }
0x8e: {  	_ =	swait.ge [sflag:s17], $0x4000  }
0x8f: {  	[sflag:s17] =	ssyncset.done $0x0  }
0x90: {  	s28 =	simm.s32 $0x2780;
	[sflag:s17] =	ssyncadd.s32 $0xFFFFC000  }
0x91: {  	[tilespmem:s21], [sflag:$0x2] =	stream.indirect.gather [hbm4b:s5+s20], $0x80, s28, s20, $0xb8;
	[tilespmem:$0x1E900] =	vst v63  }
0x92: {  	_ = 	snop  }
0x93: {  	[tilespmem:s22], [sflag:$0x4] =	stream.linear.gather [hbm4b:s16+s3], $0x80, $0x38;
	[tilespmem:$0x1E900] =	vst v63  }
0x94: {  	_ =	swait.ge [sflag:s23], $0x4000  }
0x95: {  	[sflag:s23] =	ssyncset.done $0x0  }
0x96: {  	[sflag:s23] =	ssyncadd.s32 $0xFFFFC000  }
0x97: {  	_ =	swait.ge [sflag:s24], $0x80  }
0x98: {  	[sflag:s24] =	ssyncset.done $0x0  }
0x99: {  	[sflag:s24] =	ssyncadd.s32 $0xFFFFFF80  }
0x9a: {  	[spmem:s2] =	stream.indirect.scatter.add.f32 [tilespmem:s18], [sflag:$0x5], $0x80, s19, s20, $0xb8;
	[tilespmem:$0x1E900] =	vst v63  }
0x9b: {  	_ =	swait.ge [sflag:s17], $0x4000  }
0x9c: {  	[sflag:s17] =	ssyncset.done $0x0  }
0x9d: {  	[sflag:s17] =	ssyncadd.s32 $0xFFFFC000  }
0x9e: {  	_ =	swait.ge [sflag:s25], $0x4000  }
0x9f: {  	[sflag:s25] =	ssyncset.done $0x0  }
0xa0: {  	[sflag:s25] =	ssyncadd.s32 $0xFFFFC000  }
0xa1: {  	_ =	swait.ge [sflag:s26], $0x80  }
0xa2: {  	[sflag:s26] =	ssyncset.done $0x0  }
0xa3: {  	[sflag:s26] =	ssyncadd.s32 $0xFFFFFF80  }
0xa4: {  	[spmem:s2] =	stream.indirect.scatter.add.f32 [tilespmem:s21], [sflag:$0x5], $0x80, s22, s20, $0xb8;
	[tilespmem:$0x1E900] =	vst v63  }
0xa5: {  	s29 =	sadd.s32 $0x1, s29;
	_ =	swait.ge [sflag:s17], $0x4000  }
0xa6: {  	s31 =	sshrl.u32 s7, $0x3;
	s30 =	stileid.u32;
	[sflag:s17] =	ssyncset.done $0x0  }
0xa7: {  	p0 =	sne.s32 s29, s15;
	s0 =	sshll.u32 s30, $0x6;
	[sflag:s17] =	ssyncadd.s32 $0xFFFFC000  }
.Ltmp2:
0xa8: {  	s0 =	sor.u32 $0x1C05, s0;
	[bflag:$0x0] =	sbarrier.arrive $0xFFFF;
	(pc) =	sbr.rel @p0 .LBB2_1-.Ltmp2, $4  }
0xa9: {  	[hbm:s14], [sflag:s0] =	dma.local [spmem:s31], $0x2800  }
0xaa: {  	_ =	swait.ge [sflag:s17], $0x2800  }
0xab: {  	[sflag:s17] =	ssyncset.done $0x0  }
0xac: {  	[sflag:s17] =	ssyncadd.s32 $0xFFFFD800  }
0xad: {  	_ =	sfence.sel $0x180000  }
0xae: {  	[bflag:$0x0] =	sbarrier.arrive $0xFFFF  }
0xaf: {  	_ =	strace $0x9000004A  }
0xb0: {  	s0 =	stileid.u32;
	[bflag:$0x2] =	sbarrier.arrive $0xFFFF  }
0xb1: {  	p0 =	sne.s32 s0, $0x0;
	s0 =	rddreg [dreg:$0x2]  }
0xb2: {  	s0 =	sadd.s32 @!p0 $0x100000, s0  }
0xb3: {  	[sflag:s0] =	ssyncadd.tile.s32 @!p0 $0x1;
	_ =	shalt  }
.Lfunc_end2:
_tile_overlayer_lowered:
.L_overlay_start_2:
0xb4: {  	(tag) =	ssettag $0x2  }
0xb5: {  	s0 =	rddreg [dreg:$0x0];
	s2 =	stileid.u32  }
0xb6: {  	s1 =	rddreg [dreg:$0x1];
	p0 =	sne.s32 s2, $0x0  }
0xb7: {  	s3 =	rddreg [dreg:$0x2];
	[bflag:$0x3] =	sbarrier.arrive $0xFFFF;
	s2 =	simm.s32 @!p0 $0x1C05  }
0xb8: {  	[timem:s3], [sflag:s2] =	dma.local @!p0 [hbm:s0], s1  }
0xb9: {  	s0 =	simm.s32 @!p0 $0x5  }
0xba: {  	_ =	swait.ge @!p0 [sflag:s0], s1  }
0xbb: {  	s1 =	ssub.s32 @!p0 $0x0, s1;
	[sflag:s0] =	ssyncset.done @!p0 $0x0  }
0xbc: {  	[sflag:s0] =	ssyncadd.s32 @!p0 s1  }
0xbd: {  	[bflag:$0x3] =	sbarrier.arrive $0xFFFF  }
0xbe: {  	_ =	shalt  }

// kernel: kernel.9.cloned.1.call-start
scs
__scs_entry_jumppad:
0x0: {  	(pc) =	sbr.rel $0x88, $3  }
0x1: {  	(tag) =	ssettag $0x0;
	lr =	simm.s32 $0x1  }
0x2: {  	[smem:$0x3F87] =	sst lr;
	_ =	strace $0xD0000000  }
0x3: {  	_ = 	snop  }
0x4: {  	_ = 	snop  }
0x5: {  	_ = 	snop  }
0x6: {  	_ = 	snop  }
0x7: {  	_ = 	snop  }
__scs_overlays_trampoline_lowered:
0x8: {  	[smem:$0x3F96] =	sst s0  }
0x9: {  	[smem:$0x3F97] =	sst s1  }
0xa: {  	[smem:$0x3F98] =	sst s2  }
0xb: {  	[smem:$0x3F99] =	sst s3  }
0xc: {  	[smem:$0x3F9A] =	sst s4  }
0xd: {  	[smem:$0x3F9B] =	sst s5  }
0xe: {  	[smem:$0x3F9C] =	sst s6  }
0xf: {  	[smem:$0x3F9D] =	sst s7  }
0x10: {  	[smem:$0x3F9E] =	sst s8  }
0x11: {  	[smem:$0x3F9F] =	sst s9;
	s0 =	simm.s32 @!p0 $0x0  }
0x12: {  	s1 =	sld [smem:$0x3F85];
	s0 =	simm.s32 @p0 $0x1  }
0x13: {  	[smem:$0x3FA0] =	sst s0;
	s0 =	simm.s32 @!p1 $0x0  }
0x14: {  	s2 =	sld [smem:$0x3F84];
	s0 =	simm.s32 @p1 $0x1  }
0x15: {  	[smem:$0x3FA1] =	sst s0;
	s0 =	simm.s32 @!p2 $0x0  }
0x16: {  	s3 =	sld [smem:$0x3FDB];
	s0 =	simm.s32 @p2 $0x1  }
0x17: {  	s4 =	simm.s32 $0x1BF5;
	[smem:$0x3FA3] =	sst s0  }
0x18: {  	s0 =	sld [smem:$0x3F86];
	_ =	swait.ge [sflag:s4], $0x0  }
0x19: {  	s7 =	sld [smem:$0x3F87]  }
0x1a: {  	s8 =	sadd.s32 $0xFFFFE003, lr  }
0x1b: {  	s9 =	sadd.s32 $0xFFFFFEF7, lr;
	s5 =	simm.s32 $0xFFFFFFFF;
	p2 =	slt.u32 s8, $0xFFFFF086  }
0x1c: {  	p1 =	slt.u32 s9, $0xF7A;
	s5 =	simm.s32 @!p2 $0x0  }
0x1d: {  	s5 =	simm.s32 @p1 $0x1;
	p0 =	seq.s32 s7, s2  }
0x1e: {  	s7 =	smul.u32 @!p0 $0xF7A, s2;
	p2 =	seq.s32 @!p0 s5, $0x0  }
0x1f: {  	s9 =	smul.u32 $0xF7A, s1;
	s8 =	simm.s32 @!p0 $0x1BF5;
	p2 =	por !p2, p0  }
0x20: {  	[sflag:s8] =	ssyncset.s32 @!p0 $0xFFFFF086;
	s6 =	sadd.s32 @!p0 s3, s7;
	s7 =	simm.s32 @!p0 $0x108  }
0x21: {  	s3 =	sadd.s32 s3, s9;
	s6 =	sadd.s32 @!p0 $0x88, s6;
	s7 =	simm.s32 @p2 $0x1082  }
0x22: {  	[simem:s7], [sflag:s8] =	dma.local @!p0 [hbm:s6], $0xF7A  }
0x23: {  	s9 =	sor.u32 $0xD0000000, s2;
	s6 =	simm.s32 $0x108;
	_ =	swait.ge @!p0 [sflag:s8], $0x0  }
0x24: {  	s3 =	sadd.s32 $0x88, s3;
	s6 =	simm.s32 @!p1 $0x1082;
	[sflag:s4] =	ssyncset.s32 $0xFFFFF086  }
0x25: {  	[simem:s6], [sflag:s4] =	dma.local [hbm:s3], $0xF7A  }
0x26: {  	[smem:$0x3F87] =	sst s1;
	(tag) =	ssettag s2;
	_ =	strace s9  }
0x27: {  	s1 =	sld [smem:$0x3F97]  }
0x28: {  	s2 =	sld [smem:$0x3F98]  }
0x29: {  	s4 =	sld [smem:$0x3F9A]  }
0x2a: {  	p0 =	seq.s32 s5, $0x0;
	s5 =	sld [smem:$0x3F9B]  }
0x2b: {  	s6 =	sld [smem:$0x3F9C]  }
0x2c: {  	s7 =	sld [smem:$0x3F9D]  }
0x2d: {  	s3 =	simm.s32 $0x108;
	s8 =	sld [smem:$0x3F9E]  }
0x2e: {  	s3 =	simm.s32 @!p0 $0x1082;
	s9 =	sld [smem:$0x3F9F]  }
0x2f: {  	lr =	sadd.s32 s0, s3;
	s0 =	sld [smem:$0x3F96]  }
0x30: {  	s3 =	sld [smem:$0x3F99]  }
0x31: {  	[smem:$0x3FA2] =	sst s10  }
0x32: {  	s10 =	sld [smem:$0x3FA0];
	_ =	sdelay $0x3  }
0x33: {  	p0 =	seq.s32 s10, $0x1;
	s10 =	sld [smem:$0x3FA2];
	_ =	sdelay $0x3  }
0x34: {  	[smem:$0x3FA2] =	sst s10  }
0x35: {  	s10 =	sld [smem:$0x3FA1];
	_ =	sdelay $0x3  }
0x36: {  	p1 =	seq.s32 s10, $0x1;
	s10 =	sld [smem:$0x3FA2];
	_ =	sdelay $0x3  }
0x37: {  	[smem:$0x3FA2] =	sst s10  }
0x38: {  	s10 =	sld [smem:$0x3FA3]  }
0x39: {  	_ = 	snop;
	(pc) =	sbr.ind lr, $3  }
0x3a: {  	_ = 	snop  }
0x3b: {  	_ = 	snop  }
0x3c: {  	p2 =	seq.s32 s10, $0x1;
	s10 =	sld [smem:$0x3FA2]  }
0x3d: {  	_ =	shalt  }
0x3e: {  	_ =	shalt  }
0x3f: {  	_ =	shalt  }
0x40: {  	_ =	shalt  }
0x41: {  	_ =	shalt  }
0x42: {  	_ =	shalt  }
0x43: {  	_ =	shalt  }
0x44: {  	_ =	shalt  }
0x45: {  	_ =	shalt  }
0x46: {  	_ =	shalt  }
0x47: {  	_ =	shalt  }
0x48: {  	_ =	shalt  }
0x49: {  	_ =	shalt  }
0x4a: {  	_ =	shalt  }
0x4b: {  	_ =	shalt  }
0x4c: {  	_ =	shalt  }
0x4d: {  	_ =	shalt  }
0x4e: {  	_ =	shalt  }
0x4f: {  	_ =	shalt  }
0x50: {  	_ =	shalt  }
0x51: {  	_ =	shalt  }
0x52: {  	_ =	shalt  }
0x53: {  	_ =	shalt  }
0x54: {  	_ =	shalt  }
0x55: {  	_ =	shalt  }
0x56: {  	_ =	shalt  }
0x57: {  	_ =	shalt  }
0x58: {  	_ =	shalt  }
0x59: {  	_ =	shalt  }
0x5a: {  	_ =	shalt  }
0x5b: {  	_ =	shalt  }
0x5c: {  	_ =	shalt  }
0x5d: {  	_ =	shalt  }
0x5e: {  	_ =	shalt  }
0x5f: {  	_ =	shalt  }
0x60: {  	_ =	shalt  }
0x61: {  	_ =	shalt  }
0x62: {  	_ =	shalt  }
0x63: {  	_ =	shalt  }
0x64: {  	_ =	shalt  }
0x65: {  	_ =	shalt  }
0x66: {  	_ =	shalt  }
0x67: {  	_ =	shalt  }
0x68: {  	_ =	shalt  }
0x69: {  	_ =	shalt  }
0x6a: {  	_ =	shalt  }
0x6b: {  	_ =	shalt  }
0x6c: {  	_ =	shalt  }
0x6d: {  	_ =	shalt  }
0x6e: {  	_ =	shalt  }
0x6f: {  	_ =	shalt  }
0x70: {  	_ =	shalt  }
0x71: {  	_ =	shalt  }
0x72: {  	_ =	shalt  }
0x73: {  	_ =	shalt  }
0x74: {  	_ =	shalt  }
0x75: {  	_ =	shalt  }
0x76: {  	_ =	shalt  }
0x77: {  	_ =	shalt  }
0x78: {  	_ =	shalt  }
0x79: {  	_ =	shalt  }
0x7a: {  	_ =	shalt  }
0x7b: {  	_ =	shalt  }
0x7c: {  	_ =	shalt  }
0x7d: {  	_ =	shalt  }
0x7e: {  	_ =	shalt  }
0x7f: {  	_ =	shalt  }
0x80: {  	_ =	shalt  }
0x81: {  	_ =	shalt  }
0x82: {  	_ =	shalt  }
0x83: {  	_ =	shalt  }
0x84: {  	_ =	shalt  }
0x85: {  	_ =	shalt  }
0x86: {  	_ =	shalt  }
0x87: {  	_ =	shalt  }
.Lfunc_end0:
.L_simem_size_0:
called_computation_lowered:
.L_overlay_start_0:
0x88: {  	s2 =	sld [smem:$0x3FD9]  }
0x89: {  	s3 =	sld [smem:$0x3FFE];
	_ =	sdelay $0x1  }
0x8a: {  	s1 =	srdreg.scid  }
0x8b: {  	s0 =	sand.u32 $0x1, s1  }
0x8c: {  	s16 =	sshll.u32 s0, $0xA;
	s2 =	sadd.s32 s3, s2  }
0x8d: {  	s2 =	sadd.s32 s2, s16  }
0x8e: {  	[smem:$0x3FAE] =	sst s2  }
0x8f: {  	_ = 	snop  }
0x90: {  	(tm) =	ssettm $0x1  }
0x91: {  	s17 =	sld [smem:$0x3FFB];
	_ =	sdelay $0x3  }
0x92: {  	_ =	strace s17  }
0x93: {  	s2 =	sld [smem:$0x3FFC];
	_ =	sdelay $0x3  }
0x94: {  	_ =	strace s2  }
0x95: {  	s2 =	sld [smem:$0x3FFD];
	_ =	sdelay $0x3  }
0x96: {  	_ =	strace s2  }
0x97: {  	_ =	strace $0x8FFFFFFF  }
0x98: {  	s18 =	sld [smem:$0x3FDB];
	_ =	sdelay $0x1  }
0x99: {  	s19 =	simm.s32 $_scs_section_size  }
0x9a: {  	s4 =	simm.s32 $_size__tile_overlayer_lowered;
	s5 =	simm.s32 $_tile_overlayer_lowered  }
0x9b: {  	s22 =	simm.s32 $0x1BFF;
	s21 =	sshll.u32 s5, $0x1;
	s2 =	sadd.s32 s19, s18  }
0x9c: {  	s6 =	simm.s32 $0x0;
	s20 =	sshll.u32 s4, $0x1;
	s4 =	sadd.s32 s21, s2  }
0x9d: {  	[timem:s6], [sflag:s22] =	dma.local [hbm:s4], s20  }
0x9e: {  	_ =	swait.ge [sflag:s22], s20  }
0x9f: {  	s3 =	ssub.s32 $0x0, s20;
	[sflag:s22] =	ssyncset.done $0x0  }
0xa0: {  	[sflag:s22] =	ssyncadd.s32 s3;
	_ =	sdelay $0x1  }
0xa1: {  	s23 =	simm.s32 $0x1B8B  }
0xa2: {  	_ =	swait.ge [sflag:s23], $0x1  }
0xa3: {  	[sflag:s23] =	ssyncset.done $0x0  }
0xa4: {  	s25 =	simm.s32 $0x1B8E;
	s24 =	sld [smem:$0x3FFE];
	[sflag:s23] =	ssyncadd.s32 $0xFFFFFFFF  }
0xa5: {  	s26 =	simm.s32 $execute0_lowered;
	[smem:$0x3FD2] =	sst s25  }
0xa6: {  	s4 =	sshll.u32 s26, $0x1;
	_ =	strace $0x80000046;
	[dreg:$0x1] =	wrdreg $0xFFFFFFFF  }
0xa7: {  	s28 =	simm.s32 $_size_execute0_lowered;
	s2 =	sadd.s32 s2, s4;
	[dreg:$0x0] =	wrdreg $0x0  }
0xa8: {  	s4 =	sshll.u32 s28, $0x1;
	[dreg:$0x2] =	wrdreg s2  }
0xa9: {  	[dreg:$0x3] =	wrdreg s4  }
0xaa: {  	[dreg:$0x4] =	wrdreg $0xC0  }
0xab: {  	_ =	task [dreg:s6], $0x5FFFF  }
0xac: {  	[dreg:$0x1] =	wrdreg $0xFFFFFFFF  }
0xad: {  	[dreg:$0x0] =	wrdreg $0x60  }
0xae: {  	[dreg:$0x2] =	wrdreg s24  }
0xaf: {  	[dreg:$0x3] =	wrdreg $0xA9000  }
0xb0: {  	[dreg:$0x4] =	wrdreg $0x9  }
0xb1: {  	_ =	task.clear_ibuf [dreg:s6], $0x5FFFF;
	_ =	strace $0x90000046  }
0xb2: {  	s29 =	simm.s32 $0x9;
	_ =	strace $0x80000048  }
0xb3: {  	_ =	swait.ge [sflag:s29], $0x1  }
0xb4: {  	[sflag:s29] =	ssyncadd.s32 $0xFFFFFFFF  }
0xb5: {  	_ =	strace $0x90000048  }
0xb6: {  	_ =	sfence  }
0xb7: {  	s30 =	sld [smem:$0x0];
	_ =	sdelay $0x2  }
0xb8: {  	s31 =	sshll.u32 s1, $0xD;
	s1 =	sshrl.u32 s1, $0x2  }
0xb9: {  	s3 =	sand.u32 $0x4000, s31;
	s1 =	sadd.s32 s1, s30  }
0xba: {  	s0 =	sor.u32 s3, s0;
	s1 =	sshll.u32 s1, $0x11  }
0xbb: {  	s0 =	sor.u32 s1, s0  }
0xbc: {  	s0 =	sadd.s32 $0x8F2B, s0  }
0xbd: {  	[sflag:s0] =	ssyncadd.remote.s32 $0x1  }
0xbe: {  	_ =	sfence.sel $0xFFFF  }
0xbf: {  	[dreg:$0x0] =	wrdreg $0xFFFFFFFF;
	(pc) =	sbr.abs _section_cstart, $3  }
0xc0: {  	[dreg:$0x1] =	wrdreg $0xFFFFFFFF  }
0xc1: {  	_ =	task.clear_ibuf [dreg:s6], $0x2FFFF;
	_ =	strace $0x9FFFFFFF  }
0xc2: {  	(tm) =	ssettm $0x7FFFFFFF  }
0xc3: {  	_ =	shalt  }
tec
execute0_lowered:
.L_overlay_start_1:
0x0: {  	(tag) =	ssettag $0x1  }
0x1: {  	s0 =	srdreg.scid  }
0x2: {  	s6 =	stileid.u32;
	s1 =	rddreg [dreg:$0x0]  }
0x3: {  	s2 =	rddreg [dreg:$0x1];
	s17 =	simm.s32 $0x5;
	s18 =	simm.s32 $0x2900  }
0x4: {  	s19 =	simm.s32 $0x2800;
	s20 =	simm.s32 $0x80;
	s21 =	simm.s32 $0x6900  }
0x5: {  	s22 =	simm.s32 $0x2880;
	s23 =	simm.s32 $0x1;
	s24 =	simm.s32 $0x3  }
0x6: {  	s25 =	simm.s32 $0x2;
	s26 =	simm.s32 $0x4;
	s29 =	simm.s32 $0x0  }
0x7: {  	s0 =	sand.u32 $0x1, s0;
	s3 =	sshll.u32 s6, $0x1;
	s9 =	smul.u32 $0x14000, s6  }
0x8: {  	s5 =	sadd.s32 $0x18400, s1;
	s11 =	smul.u32 $0x50000, s6;
	s6 =	sadd.s32 $0xE400, s1  }
0x9: {  	s4 =	sor.u32 s0, s3;
	s3 =	simm.s32 $0x0;
	s7 =	smul.u32 $0x140000, s0  }
0xa: {  	s0 =	ssub.s32 $0x2, s0;
	s4 =	smul.u32 $0x2800, s4;
	[smem:$0x7FF] =	sst s3  }
0xb: {  	s28 =	sshrl.u32 s0, $0x1;
	s11 =	sshrl.u32 s11, $0x2;
	_ =	strace $0x80000047  }
0xc: {  	s7 =	sadd.s32 s9, s7;
	s0 =	ssub.s32 s0, s28;
	s8 =	sshrl.u32 s4, $0x3  }
0xd: {  	s7 =	sshrl.u32 s7, $0x3;
	s15 =	smax.u32 s0, $0x1;
	s10 =	sadd.s32 s8, s1  }
0xe: {  	s1 =	sadd.s32 s7, s1;
	s7 =	sadd.s32 s11, s2;
	s13 =	sadd.s32 s6, s8  }
0xf: {  	s30 =	sadd.s32 $0x4400, s10;
	s31 =	sadd.s32 $0x4000, s7;
	s10 =	sadd.s32 $0x8000, s7  }
0x10: {  	s11 =	sadd.s32 $0xC000, s7;
	s12 =	sadd.s32 $0x10000, s7;
	[dreg:$0x3] =	wrdreg s30  }
0x11: {  	v0 =	vimm.f32 $0.0e+00;
	s14 =	sadd.s32 $0x3F600, s1;
	s16 =	sadd.s32 $0x4F0, s13;
	[dreg:$0x4] =	wrdreg s31  }
.LBB2_1:
0x12: {  	s0 =	rddreg [dreg:$0x3]  }
0x13: {  	[tilespmem:s3], [sflag:$0x5] =	stream.linear.gather [hbm4b:s0+s3], $0x2800, $0x38;
	[tilespmem:$0x1E900] =	vst v63  }
0x14: {  	_ =	swait.ge [sflag:s17], $0x2800  }
0x15: {  	[sflag:s17] =	ssyncset.done $0x0  }
0x16: {  	s1 =	simm.s32 $0x0;
	s0 =	simm.s32 $0x200;
	[sflag:s17] =	ssyncadd.s32 $0xFFFFD800  }
.LBB2_2:
0x17: {  	p0 =	sne.s32 s0, $0xFE00;
	[tilespmem:s1+$0x2970] =	vst v0  }
0x18: {  	[tilespmem:s1+$0x2900] =	vst v0  }
0x19: {  	[tilespmem:s1+$0x2910] =	vst v0  }
.Ltmp0:
0x1a: {  	[tilespmem:s1+$0x2920] =	vst v0;
	(pc) =	sbr.rel @p0 .LBB2_2-.Ltmp0, $4  }
0x1b: {  	[tilespmem:s1+$0x2930] =	vst v0  }
0x1c: {  	[tilespmem:s1+$0x2940] =	vst v0  }
0x1d: {  	[tilespmem:s1+$0x2950] =	vst v0  }
0x1e: {  	[tilespmem:s1+$0x2960] =	vst v0;
	s1 =	sshra.s32 s0, $0x2;
	s0 =	sadd.s32 $0x200, s0  }
0x1f: {  	[tilespmem:s1+$0x2970] =	vst v0  }
0x20: {  	[tilespmem:s1+$0x2900] =	vst v0  }
0x21: {  	[tilespmem:s1+$0x2910] =	vst v0  }
0x22: {  	[tilespmem:s1+$0x2920] =	vst v0  }
0x23: {  	[tilespmem:s1+$0x2930] =	vst v0  }
0x24: {  	[tilespmem:s1+$0x2940] =	vst v0  }
0x25: {  	[tilespmem:s1+$0x2950] =	vst v0  }
0x26: {  	[tilespmem:s1+$0x2960] =	vst v0  }
0x27: {  	[spmem:s7] =	stream.linear.scatter [tilespmem:s18], [sflag:$0x5], $0x4000, $0x38;
	[tilespmem:$0x1E900] =	vst v63  }
0x28: {  	_ =	swait.ge [sflag:s17], $0x4000  }
0x29: {  	[sflag:s17] =	ssyncset.done $0x0  }
0x2a: {  	s0 =	rddreg [dreg:$0x4];
	[sflag:s17] =	ssyncadd.s32 $0xFFFFC000  }
0x2b: {  	[spmem:s0] =	stream.linear.scatter [tilespmem:s18], [sflag:$0x5], $0x4000, $0x38;
	[tilespmem:$0x1E900] =	vst v63  }
0x2c: {  	_ =	swait.ge [sflag:s17], $0x4000  }
0x2d: {  	[sflag:s17] =	ssyncset.done $0x0  }
0x2e: {  	[sflag:s17] =	ssyncadd.s32 $0xFFFFC000  }
0x2f: {  	[spmem:s10] =	stream.linear.scatter [tilespmem:s18], [sflag:$0x5], $0x4000, $0x38;
	[tilespmem:$0x1E900] =	vst v63  }
0x30: {  	_ =	swait.ge [sflag:s17], $0x4000  }
0x31: {  	[sflag:s17] =	ssyncset.done $0x0  }
0x32: {  	[sflag:s17] =	ssyncadd.s32 $0xFFFFC000  }
0x33: {  	[spmem:s11] =	stream.linear.scatter [tilespmem:s18], [sflag:$0x5], $0x4000, $0x38;
	[tilespmem:$0x1E900] =	vst v63  }
0x34: {  	_ =	swait.ge [sflag:s17], $0x4000  }
0x35: {  	[sflag:s17] =	ssyncset.done $0x0  }
0x36: {  	[sflag:s17] =	ssyncadd.s32 $0xFFFFC000  }
0x37: {  	[spmem:s12] =	stream.linear.scatter [tilespmem:s18], [sflag:$0x5], $0x4000, $0x38;
	[tilespmem:$0x1E900] =	vst v63  }
0x38: {  	_ =	swait.ge [sflag:s17], $0x4000  }
0x39: {  	s9 =	simm.s32 $0x0;
	[sflag:s17] =	ssyncset.done $0x0  }
0x3a: {  	s8 =	simm.s32 $0x80;
	s1 =	sand.u32 $0x3C00, s9;
	[sflag:s17] =	ssyncadd.s32 $0xFFFFC000  }
0x3b: {  	s8 =	sand.u32 $0x380, s8;
	s1 =	sadd.s32 s4, s1;
	[bflag:$0x0] =	sbarrier.arrive $0xFFFF  }
0x3c: {  	[tilespmem:s19], [sflag:$0x3] =	stream.linear.gather [hbm4b:s13+s3], $0x80, $0x38;
	[tilespmem:$0x1E900] =	vst v63  }
0x3d: {  	s1 =	sor.u32 s1, s8;
	s0 =	simm.s32 $0x80  }
0x3e: {  	[tilespmem:s18], [sflag:$0x1] =	stream.indirect.gather [hbm4b:s5+s0], $0x80, s3, s0, $0xb8;
	[tilespmem:$0x1E900] =	vst v63  }
0x3f: {  	s1 =	sshrl.u32 s1, $0x3  }
0x40: {  	[tilespmem:s21], [sflag:$0x2] =	stream.indirect.gather [hbm4b:s5+s20], $0x80, s0, s20, $0xb8;
	[tilespmem:$0x1E900] =	vst v63  }
0x41: {  	s1 =	sadd.s32 s6, s1  }
0x42: {  	[tilespmem:s22], [sflag:$0x4] =	stream.linear.gather [hbm4b:s1+s3], $0x80, $0x38;
	[tilespmem:$0x1E900] =	vst v63  }
0x43: {  	_ =	swait.ge [sflag:s23], $0x4000  }
0x44: {  	[sflag:s23] =	ssyncset.done $0x0  }
0x45: {  	[sflag:s23] =	ssyncadd.s32 $0xFFFFC000  }
0x46: {  	s8 =	simm.s32 $0x100;
	_ =	swait.ge [sflag:s24], $0x80  }
0x47: {  	s9 =	sand.u32 $0x7C00, s8;
	[sflag:s24] =	ssyncset.done $0x0  }
0x48: {  	s0 =	sand.u32 $0x300, s8;
	s1 =	sadd.s32 s4, s9;
	[sflag:s24] =	ssyncadd.s32 $0xFFFFFF80  }
0x49: {  	[spmem:s2] =	stream.indirect.scatter.add.f32 [tilespmem:s18], [sflag:$0x5], $0x80, s19, s20, $0xb8;
	[tilespmem:$0x1E900] =	vst v63  }
0x4a: {  	s0 =	sor.u32 s0, s1;
	_ =	swait.ge [sflag:s17], $0x4000  }
0x4b: {  	s0 =	sshrl.u32 s0, $0x3;
	[sflag:s17] =	ssyncset.done $0x0  }
0x4c: {  	s0 =	sadd.s32 s6, s0;
	[sflag:s17] =	ssyncadd.s32 $0xFFFFC000  }
0x4d: {  	[tilespmem:s19], [sflag:$0x3] =	stream.linear.gather [hbm4b:s0+s3], $0x80, $0x38;
	[tilespmem:$0x1E900] =	vst v63  }
0x4e: {  	s8 =	simm.s32 $0x100  }
0x4f: {  	[tilespmem:s18], [sflag:$0x1] =	stream.indirect.gather [hbm4b:s5+s20], $0x80, s8, s20, $0xb8;
	[tilespmem:$0x1E900] =	vst v63  }
0x50: {  	_ =	swait.ge [sflag:s25], $0x4000  }
0x51: {  	s31 =	simm.s32 $0x200;
	s30 =	simm.s32 $0x180;
	[sflag:s25] =	ssyncset.done $0x0  }
0x52: {  	s9 =	simm.s32 $0x100;
	s1 =	simm.s32 $0x300;
	[sflag:s25] =	ssyncadd.s32 $0xFFFFC000  }
0x53: {  	s28 =	sand.u32 $0x3C00, s9;
	s8 =	simm.s32 $0x180;
	_ =	swait.ge [sflag:s26], $0x80  }
.LBB2_4:
0x54: {  	s28 =	sadd.s32 s4, s28  }
0x55: {  	s8 =	sand.u32 $0x380, s8;
	[sflag:s26] =	ssyncset.done $0x0;
	s9 =	smov.u32 s1  }
0x56: {  	s0 =	sadd.s32 $0x100, s1;
	s8 =	sor.u32 s28, s8;
	[sflag:s26] =	ssyncadd.s32 $0xFFFFFF80  }
0x57: {  	[spmem:s2] =	stream.indirect.scatter.add.f32 [tilespmem:s21], [sflag:$0x5], $0x80, s22, s20, $0xb8;
	[tilespmem:$0x1E900] =	vst v63  }
0x58: {  	p0 =	sne.s32 s1, $0x2700;
	s1 =	sshrl.u32 s8, $0x3;
	_ =	swait.ge [sflag:s17], $0x4000  }
0x59: {  	[sflag:s17] =	ssyncset.done $0x0  }
0x5a: {  	[sflag:s17] =	ssyncadd.s32 $0xFFFFC000  }
0x5b: {  	[tilespmem:s21], [sflag:$0x2] =	stream.indirect.gather [hbm4b:s5+s20], $0x80, s30, s20, $0xb8;
	[tilespmem:$0x1E900] =	vst v63  }
0x5c: {  	s1 =	sadd.s32 s6, s1  }
0x5d: {  	[tilespmem:s22], [sflag:$0x4] =	stream.linear.gather [hbm4b:s1+s3], $0x80, $0x38;
	[tilespmem:$0x1E900] =	vst v63  }
0x5e: {  	_ =	swait.ge [sflag:s23], $0x4000  }
0x5f: {  	[sflag:s23] =	ssyncset.done $0x0  }
0x60: {  	[sflag:s23] =	ssyncadd.s32 $0xFFFFC000  }
0x61: {  	_ =	swait.ge [sflag:s24], $0x80  }
0x62: {  	[sflag:s24] =	ssyncset.done $0x0  }
0x63: {  	s1 =	sand.u32 $0x7C00, s31;
	[sflag:s24] =	ssyncadd.s32 $0xFFFFFF80  }
0x64: {  	[spmem:s2] =	stream.indirect.scatter.add.f32 [tilespmem:s18], [sflag:$0x5], $0x80, s19, s20, $0xb8;
	[tilespmem:$0x1E900] =	vst v63  }
0x65: {  	s8 =	sand.u32 $0x300, s31;
	s31 =	smov.u32 s9;
	s1 =	sadd.s32 s4, s1  }
0x66: {  	s1 =	sor.u32 s8, s1;
	_ =	swait.ge [sflag:s17], $0x4000  }
0x67: {  	s1 =	sshrl.u32 s1, $0x3;
	[sflag:s17] =	ssyncset.done $0x0  }
0x68: {  	s1 =	sadd.s32 s6, s1;
	[sflag:s17] =	ssyncadd.s32 $0xFFFFC000  }
0x69: {  	[tilespmem:s19], [sflag:$0x3] =	stream.linear.gather [hbm4b:s1+s3], $0x80, $0x38;
	[tilespmem:$0x1E900] =	vst v63  }
0x6a: {  	s1 =	sadd.s32 $0x80, s30  }
0x6b: {  	[tilespmem:s18], [sflag:$0x1] =	stream.indirect.gather [hbm4b:s5+s20], $0x80, s1, s20, $0xb8;
	[tilespmem:$0x1E900] =	vst v63  }
.Ltmp1:
0x6c: {  	_ = 	snop;
	(pc) =	sbr.rel @p0 .LBB2_4-.Ltmp1, $4  }
0x6d: {  	_ =	swait.ge [sflag:s25], $0x4000  }
0x6e: {  	s8 =	sadd.s32 $0xFFFFFF80, s31;
	[sflag:s25] =	ssyncset.done $0x0  }
0x6f: {  	s30 =	sadd.s32 $0x100, s30;
	s1 =	sadd.s32 $0xFFFFFF00, s31;
	[sflag:s25] =	ssyncadd.s32 $0xFFFFC000  }
0x70: {  	s28 =	sand.u32 $0x3C00, s1;
	s1 =	smov.u32 s0;
	_ =	swait.ge [sflag:s26], $0x80  }
0x71: {  	[sflag:s26] =	ssyncset.done $0x0  }
0x72: {  	[sflag:s26] =	ssyncadd.s32 $0xFFFFFF80  }
0x73: {  	[spmem:s2] =	stream.indirect.scatter.add.f32 [tilespmem:s21], [sflag:$0x5], $0x80, s22, s20, $0xb8;
	[tilespmem:$0x1E900] =	vst v63  }
0x74: {  	s0 =	sadd.s32 s4, s28;
	s1 =	sand.u32 $0x380, s8;
	_ =	swait.ge [sflag:s17], $0x4000  }
0x75: {  	s0 =	sor.u32 s0, s1;
	[sflag:s17] =	ssyncset.done $0x0  }
0x76: {  	s0 =	sshrl.u32 s0, $0x3;
	[sflag:s17] =	ssyncadd.s32 $0xFFFFC000  }
0x77: {  	[tilespmem:s21], [sflag:$0x2] =	stream.indirect.gather [hbm4b:s5+s20], $0x80, s30, s20, $0xb8;
	[tilespmem:$0x1E900] =	vst v63  }
0x78: {  	s0 =	sadd.s32 s6, s0  }
0x79: {  	[tilespmem:s22], [sflag:$0x4] =	stream.linear.gather [hbm4b:s0+s3], $0x80, $0x38;
	[tilespmem:$0x1E900] =	vst v63  }
0x7a: {  	_ =	swait.ge [sflag:s23], $0x4000  }
0x7b: {  	[sflag:s23] =	ssyncset.done $0x0  }
0x7c: {  	[sflag:s23] =	ssyncadd.s32 $0xFFFFC000  }
0x7d: {  	_ =	swait.ge [sflag:s24], $0x80  }
0x7e: {  	s1 =	sand.u32 $0x7C00, s31;
	[sflag:s24] =	ssyncset.done $0x0  }
0x7f: {  	s8 =	sand.u32 $0x300, s31;
	s0 =	sadd.s32 s4, s1;
	[sflag:s24] =	ssyncadd.s32 $0xFFFFFF80  }
0x80: {  	[spmem:s2] =	stream.indirect.scatter.add.f32 [tilespmem:s18], [sflag:$0x5], $0x80, s19, s20, $0xb8;
	[tilespmem:$0x1E900] =	vst v63  }
0x81: {  	s0 =	sor.u32 s8, s0;
	_ =	swait.ge [sflag:s17], $0x4000  }
0x82: {  	s0 =	sshrl.u32 s0, $0x3;
	[sflag:s17] =	ssyncset.done $0x0  }
0x83: {  	s0 =	sadd.s32 s6, s0;
	[sflag:s17] =	ssyncadd.s32 $0xFFFFC000  }
0x84: {  	[tilespmem:s19], [sflag:$0x3] =	stream.linear.gather [hbm4b:s0+s3], $0x80, $0x38;
	[tilespmem:$0x1E900] =	vst v63  }
0x85: {  	s9 =	sadd.s32 $0x80, s30  }
0x86: {  	[tilespmem:s18], [sflag:$0x1] =	stream.indirect.gather [hbm4b:s5+s20], $0x80, s9, s20, $0xb8;
	[tilespmem:$0x1E900] =	vst v63  }
0x87: {  	_ =	swait.ge [sflag:s25], $0x4000  }
0x88: {  	[sflag:s25] =	ssyncset.done $0x0  }
0x89: {  	[sflag:s25] =	ssyncadd.s32 $0xFFFFC000  }
0x8a: {  	_ =	swait.ge [sflag:s26], $0x80  }
0x8b: {  	[sflag:s26] =	ssyncset.done $0x0  }
0x8c: {  	[sflag:s26] =	ssyncadd.s32 $0xFFFFFF80  }
0x8d: {  	[spmem:s2] =	stream.indirect.scatter.add.f32 [tilespmem:s21], [sflag:$0x5], $0x80, s22, s20, $0xb8;
	[tilespmem:$0x1E900] =	vst v63  }
0x8e: {  	_ =	swait.ge [sflag:s17], $0x4000  }
0x8f: {  	[sflag:s17] =	ssyncset.done $0x0  }
0x90: {  	s28 =	simm.s32 $0x2780;
	[sflag:s17] =	ssyncadd.s32 $0xFFFFC000  }
0x91: {  	[tilespmem:s21], [sflag:$0x2] =	stream.indirect.gather [hbm4b:s5+s20], $0x80, s28, s20, $0xb8;
	[tilespmem:$0x1E900] =	vst v63  }
0x92: {  	_ = 	snop  }
0x93: {  	[tilespmem:s22], [sflag:$0x4] =	stream.linear.gather [hbm4b:s16+s3], $0x80, $0x38;
	[tilespmem:$0x1E900] =	vst v63  }
0x94: {  	_ =	swait.ge [sflag:s23], $0x4000  }
0x95: {  	[sflag:s23] =	ssyncset.done $0x0  }
0x96: {  	[sflag:s23] =	ssyncadd.s32 $0xFFFFC000  }
0x97: {  	_ =	swait.ge [sflag:s24], $0x80  }
0x98: {  	[sflag:s24] =	ssyncset.done $0x0  }
0x99: {  	[sflag:s24] =	ssyncadd.s32 $0xFFFFFF80  }
0x9a: {  	[spmem:s2] =	stream.indirect.scatter.add.f32 [tilespmem:s18], [sflag:$0x5], $0x80, s19, s20, $0xb8;
	[tilespmem:$0x1E900] =	vst v63  }
0x9b: {  	_ =	swait.ge [sflag:s17], $0x4000  }
0x9c: {  	[sflag:s17] =	ssyncset.done $0x0  }
0x9d: {  	[sflag:s17] =	ssyncadd.s32 $0xFFFFC000  }
0x9e: {  	_ =	swait.ge [sflag:s25], $0x4000  }
0x9f: {  	[sflag:s25] =	ssyncset.done $0x0  }
0xa0: {  	[sflag:s25] =	ssyncadd.s32 $0xFFFFC000  }
0xa1: {  	_ =	swait.ge [sflag:s26], $0x80  }
0xa2: {  	[sflag:s26] =	ssyncset.done $0x0  }
0xa3: {  	[sflag:s26] =	ssyncadd.s32 $0xFFFFFF80  }
0xa4: {  	[spmem:s2] =	stream.indirect.scatter.add.f32 [tilespmem:s21], [sflag:$0x5], $0x80, s22, s20, $0xb8;
	[tilespmem:$0x1E900] =	vst v63  }
0xa5: {  	s29 =	sadd.s32 $0x1, s29;
	_ =	swait.ge [sflag:s17], $0x4000  }
0xa6: {  	s31 =	sshrl.u32 s7, $0x3;
	s30 =	stileid.u32;
	[sflag:s17] =	ssyncset.done $0x0  }
0xa7: {  	p0 =	sne.s32 s29, s15;
	s0 =	sshll.u32 s30, $0x6;
	[sflag:s17] =	ssyncadd.s32 $0xFFFFC000  }
.Ltmp2:
0xa8: {  	s0 =	sor.u32 $0x1C05, s0;
	[bflag:$0x0] =	sbarrier.arrive $0xFFFF;
	(pc) =	sbr.rel @p0 .LBB2_1-.Ltmp2, $4  }
0xa9: {  	[hbm:s14], [sflag:s0] =	dma.local [spmem:s31], $0x2800  }
0xaa: {  	_ =	swait.ge [sflag:s17], $0x2800  }
0xab: {  	[sflag:s17] =	ssyncset.done $0x0  }
0xac: {  	[sflag:s17] =	ssyncadd.s32 $0xFFFFD800  }
0xad: {  	_ =	sfence.sel $0x180000  }
0xae: {  	[bflag:$0x0] =	sbarrier.arrive $0xFFFF  }
0xaf: {  	_ =	strace $0x90000047  }
0xb0: {  	s0 =	stileid.u32;
	[bflag:$0x2] =	sbarrier.arrive $0xFFFF  }
0xb1: {  	p0 =	sne.s32 s0, $0x0;
	s0 =	rddreg [dreg:$0x2]  }
0xb2: {  	s0 =	sadd.s32 @!p0 $0x100000, s0  }
0xb3: {  	[sflag:s0] =	ssyncadd.tile.s32 @!p0 $0x1;
	_ =	shalt  }
.Lfunc_end2:
_tile_overlayer_lowered:
.L_overlay_start_2:
0xb4: {  	(tag) =	ssettag $0x2  }
0xb5: {  	s0 =	rddreg [dreg:$0x0];
	s2 =	stileid.u32  }
0xb6: {  	s1 =	rddreg [dreg:$0x1];
	p0 =	sne.s32 s2, $0x0  }
0xb7: {  	s3 =	rddreg [dreg:$0x2];
	[bflag:$0x3] =	sbarrier.arrive $0xFFFF;
	s2 =	simm.s32 @!p0 $0x1C05  }
0xb8: {  	[timem:s3], [sflag:s2] =	dma.local @!p0 [hbm:s0], s1  }
0xb9: {  	s0 =	simm.s32 @!p0 $0x5  }
0xba: {  	_ =	swait.ge @!p0 [sflag:s0], s1  }
0xbb: {  	s1 =	ssub.s32 @!p0 $0x0, s1;
	[sflag:s0] =	ssyncset.done @!p0 $0x0  }
0xbc: {  	[sflag:s0] =	ssyncadd.s32 @!p0 s1  }
0xbd: {  	[bflag:$0x3] =	sbarrier.arrive $0xFFFF  }
0xbe: {  	_ =	shalt  }

</sc_bundles>
